<compile_context>
chip_gen: v7x
topology: tpu7x:2x2x1
jax: 0.10.2.dev20260603
libtpu: 0.0.44.dev20260713+nightly
codegen_flags: <defaults>
</compile_context>

<pallas_src>
import functools

import jax
import jax.numpy as jnp
import numpy as np
from jax import lax
from jax.experimental import pallas as pl
from jax.experimental.pallas import tpu as pltpu
from jax.experimental.pallas import tpu_sc as plsc

_B = 4096
_MAT = 128
_TRIL_N = _MAT * (_MAT - 1) // 2
_NW = 32
_NB = _B // _NW

_tr_r, _tr_c = np.tril_indices(_MAT, -1)
_DEST_TRIL = (_tr_r * _MAT + _tr_c).astype(np.int32)
_DEST_DIAG = (np.arange(_MAT) * (_MAT + 1)).astype(np.int32)

_mesh = plsc.VectorSubcoreMesh(core_axis_name="c", subcore_axis_name="s")


@functools.partial(
    pl.kernel,
    mesh=_mesh,
    compiler_params=pltpu.CompilerParams(
        needs_layout_passes=False, use_tc_tiling_on_sc=True),
    out_type=(
        jax.ShapeDtypeStruct((_B, _MAT, _MAT), jnp.float32),
        jax.ShapeDtypeStruct((_NW, 16), jnp.float32),
    ),
    scratch_types=[
        pltpu.VMEM((_TRIL_N,), jnp.float32),
        pltpu.VMEM((_TRIL_N,), jnp.float32),
        pltpu.VMEM((_TRIL_N,), jnp.float32),
        pltpu.VMEM((_TRIL_N,), jnp.float32),
        pltpu.VMEM((_NB, _MAT), jnp.float32),
        pltpu.VMEM((_TRIL_N,), jnp.int32),
        pltpu.VMEM((_MAT,), jnp.int32),
        pltpu.VMEM((_MAT, _MAT), jnp.float32),
        pltpu.VMEM((_MAT, _MAT), jnp.float32),
        pltpu.VMEM((_MAT, _MAT), jnp.float32),
        pltpu.VMEM((_MAT, _MAT), jnp.float32),
        pltpu.VMEM((16,), jnp.float32),
        pltpu.SemaphoreType.DMA,
        pltpu.SemaphoreType.DMA,
    ],
)
def _scatter_kernel(diag_hbm, tril_hbm, didx_hbm, ddiag_hbm,
                    out_hbm, part_hbm,
                    tril_v0, tril_v1, tril_v2, tril_v3, diag_all,
                    didx_v, ddiag_v, out_v0, out_v1, out_v2, out_v3, acc_v,
                    in_sem, out_sem):
    wid = lax.axis_index("s") * 2 + lax.axis_index("c")
    base = pl.multiple_of(wid * _NB, 128)
    tril_b = (tril_v0, tril_v1, tril_v2, tril_v3)
    out_b = (out_v0, out_v1, out_v2, out_v3)

    pltpu.sync_copy(didx_hbm, didx_v)
    pltpu.sync_copy(ddiag_hbm, ddiag_v)
    pltpu.sync_copy(diag_hbm.at[pl.ds(base, _NB)], diag_all)

    zero = jnp.zeros((16,), jnp.float32)

    def zero_body(i, carry):
        for q in range(4):
            for j in range(_MAT // 16):
                out_b[q][i, pl.ds(j * 16, 16)] = zero
        return carry

    lax.fori_loop(0, _MAT, zero_body, 0)

    def _issue_in(b, p):
        pltpu.async_copy(tril_hbm.at[b], tril_b[p], in_sem)

    def _wait_in(b, p):
        pltpu.make_async_copy(tril_hbm.at[b], tril_b[p], in_sem).wait()

    def _process(g, p, q, vacc):
        tv, ov = tril_b[p], out_b[q]

        @plsc.parallel_loop(0, _TRIL_N // 16, unroll=16)
        def _(j):
            x = tv[pl.ds(j * 16, 16)]
            idx = didx_v[pl.ds(j * 16, 16)]
            r = lax.shift_right_logical(idx, 7)
            c = lax.bitwise_and(idx, 127)
            plsc.store_scatter(ov, [r, c], x)

        for j in range(_MAT // 16):
            d = diag_all[g, pl.ds(j * 16, 16)]
            vacc = vacc + d
            rc = lax.shift_right_logical(ddiag_v[pl.ds(j * 16, 16)], 7)
            plsc.store_scatter(ov, [rc, rc], jnp.exp(d))
        return vacc

    for u in range(4):
        _issue_in(base + u, u)

    def quad_body(i, vacc):
        b0 = base + i * 4
        for u in range(4):
            b = b0 + u
            p = u
            q = u

            @pl.when(i > 0)
            def _():
                pltpu.make_async_copy(out_b[q], out_hbm.at[b],
                                      out_sem).wait()

            _wait_in(b, p)
            vacc = _process(i * 4 + u, p, q, vacc)

            @pl.when(i < _NB // 4 - 1)
            def _():
                _issue_in(b + 4, p)

            pltpu.async_copy(out_b[q], out_hbm.at[b], out_sem)
        return vacc

    vacc = lax.fori_loop(0, _NB // 4, quad_body,
                         jnp.zeros((16,), jnp.float32))

    for q in range(4):
        pltpu.make_async_copy(out_b[q], out_hbm.at[base], out_sem).wait()

    acc_v[...] = vacc
    pltpu.sync_copy(acc_v, part_hbm.at[wid])


@jax.jit
def _run(diag_theta, tril_theta):
    theta, parts = _scatter_kernel(diag_theta, tril_theta,
                                   jnp.asarray(_DEST_TRIL),
                                   jnp.asarray(_DEST_DIAG))
    return theta, jnp.sum(parts)


def kernel(diag_theta, tril_theta):
    return _run(diag_theta, tril_theta)

# --- scband reference (transcript-rebuilt; emitter-appended) ---
"""Pipeline reference for scband-cholesky-impl-6571299962991 (READ-ONLY COPY).

The authoritative reference and input builder live on the scoring server;
editing this copy changes nothing except your own understanding.
"""

import jax, jax.numpy as jnp
import numpy as np

BATCH_PROD = 4096
MAT = 128
TRIL_N = MAT * (MAT - 1) // 2  # 8128

# static index buffers (match torch.tril_indices row-major ordering)
_DIAG_IDX = jnp.arange(MAT)
_TR_R, _TR_C = np.tril_indices(MAT, -1)
_TR_R = jnp.asarray(_TR_R)
_TR_C = jnp.asarray(_TR_C)


def setup_inputs(seed: int = 0) -> dict:
    key = jax.random.key(seed)
    k1, k2 = jax.random.split(key)
    diag_theta = jax.random.normal(k1, (BATCH_PROD, MAT), dtype=jnp.float32)
    tril_theta = jax.random.normal(k2, (BATCH_PROD, TRIL_N), dtype=jnp.float32)
    return {"diag_theta": diag_theta, "tril_theta": tril_theta}


def reference(diag_theta, tril_theta):
    # LowerBoundImpl(lower_bound=0.0): zeta = exp(theta); constraint contrib = sum(theta)
    # (log|det Jacobian| of the exp transform). UnconstrainedImpl: identity, zero contrib.
    diag_zeta = jnp.exp(diag_theta)
    diag_contrib = jnp.sum(diag_theta)
    tril_zeta = tril_theta
    tril_contrib = jnp.asarray(0.0, dtype=jnp.float32)

    theta = jnp.zeros((BATCH_PROD, MAT, MAT), dtype=jnp.float32)
    # scatter-overwrite diagonal entries
    theta = theta.at[:, _DIAG_IDX, _DIAG_IDX].set(diag_zeta)
    # scatter-overwrite strictly-lower-triangular entries
    theta = theta.at[:, _TR_R, _TR_C].set(tril_zeta)

    # batch_size=[4096] (len>=2 size list path): view to res_size, no squeeze
    theta = theta.reshape((BATCH_PROD, MAT, MAT))
    constraint_contrib = diag_contrib + tril_contrib
    return theta, constraint_contrib

if __name__ == "__main__":
    import jax
    _d = setup_inputs()
    print(jax.jit(kernel)(*tuple(_d.values())))

</pallas_src>

<mosaic_0001>
#map = affine_map<(d0, d1) -> (0, 0)>
#map1 = affine_map<(d0, d1) -> (0)>
#map2 = affine_map<(d0, d1) -> (0, 0, 0)>
module attributes {stable_mosaic.version = 14 : i64} {
  func.func @_scatter_kernel(%arg0: i32, %arg1: i32, %arg2: memref<4096x128xf32, #tpu.memory_space<hbm>>, %arg3: memref<4096x8128xf32, #tpu.memory_space<hbm>>, %arg4: memref<8128xi32, #tpu.memory_space<hbm>>, %arg5: memref<128xi32, #tpu.memory_space<hbm>>, %arg6: memref<4096x128x128xf32, #tpu.memory_space<hbm>>, %arg7: memref<32x16xf32, #tpu.memory_space<hbm>>, %arg8: memref<8128xf32, #tpu.memory_space<vmem>>, %arg9: memref<8128xf32, #tpu.memory_space<vmem>>, %arg10: memref<8128xf32, #tpu.memory_space<vmem>>, %arg11: memref<8128xf32, #tpu.memory_space<vmem>>, %arg12: memref<128x128xf32, #tpu.memory_space<vmem>>, %arg13: memref<8128xi32, #tpu.memory_space<vmem>>, %arg14: memref<128xi32, #tpu.memory_space<vmem>>, %arg15: memref<128x128xf32, #tpu.memory_space<vmem>>, %arg16: memref<128x128xf32, #tpu.memory_space<vmem>>, %arg17: memref<128x128xf32, #tpu.memory_space<vmem>>, %arg18: memref<128x128xf32, #tpu.memory_space<vmem>>, %arg19: memref<16xf32, #tpu.memory_space<vmem>>, %arg20: memref<!tpu.dma_semaphore, #tpu.memory_space<semaphore_mem>>, %arg21: memref<!tpu.dma_semaphore, #tpu.memory_space<semaphore_mem>>) attributes {dimension_semantics = [#tpu.dimension_semantics<core_parallel>, #tpu.dimension_semantics<subcore_parallel>], iteration_bounds = array<i64: 2, 16>, scalar_prefetch = 0 : i64, scratch_operands = 14 : i64, tpu.core_type = #tpu.core_type<sc_vector_subcore>, window_params = [{transform_indices = #map}, {transform_indices = #map}, {transform_indices = #map1}, {transform_indices = #map1}, {transform_indices = #map2}, {transform_indices = #map}]} {
    %mul3A = arith.constant 2 : i32
    %mul3A_0 = arith.muli %arg1, %mul3A : i32
    %add3A = arith.addi %mul3A_0, %arg0 : i32
    %mul3A_1 = arith.constant 128 : i32
    %mul3A_2 = arith.muli %add3A, %mul3A_1 : i32
    %multiple_of3A = tpu.assume_multiple %mul3A_2, 128 : i32
    "tpu.region"() ({
      %run_scoped3A = tpu.sem_alloc : memref<!tpu.dma_semaphore, #tpu.memory_space<semaphore_mem>>
      tpu.enqueue_dma source(%arg4 : memref<8128xi32, #tpu.memory_space<hbm>>) target(%arg13 : memref<8128xi32, #tpu.memory_space<vmem>>) target_semaphore(%run_scoped3A : memref<!tpu.dma_semaphore, #tpu.memory_space<semaphore_mem>>)
      tpu.wait_dma2 semaphore(%run_scoped3A : memref<!tpu.dma_semaphore, #tpu.memory_space<semaphore_mem>>) src(%arg4 : memref<8128xi32, #tpu.memory_space<hbm>>) dst(%arg13 : memref<8128xi32, #tpu.memory_space<vmem>>)
      tpu.yield
    }) : () -> ()
    "tpu.region"() ({
      %run_scoped3A = tpu.sem_alloc : memref<!tpu.dma_semaphore, #tpu.memory_space<semaphore_mem>>
      tpu.enqueue_dma source(%arg5 : memref<128xi32, #tpu.memory_space<hbm>>) target(%arg14 : memref<128xi32, #tpu.memory_space<vmem>>) target_semaphore(%run_scoped3A : memref<!tpu.dma_semaphore, #tpu.memory_space<semaphore_mem>>)
      tpu.wait_dma2 semaphore(%run_scoped3A : memref<!tpu.dma_semaphore, #tpu.memory_space<semaphore_mem>>) src(%arg5 : memref<128xi32, #tpu.memory_space<hbm>>) dst(%arg14 : memref<128xi32, #tpu.memory_space<vmem>>)
      tpu.yield
    }) : () -> ()
    "tpu.region"() ({
      %run_scoped3A = tpu.sem_alloc : memref<!tpu.dma_semaphore, #tpu.memory_space<semaphore_mem>>
      %dma_start3A_80 = arith.constant 0 : i32
      %dma_start3A_81 = tpu.memref_slice %arg2[%multiple_of3A, %dma_start3A_80] : memref<4096x128xf32, #tpu.memory_space<hbm>> -> memref<128x128xf32, #tpu.memory_space<hbm>>
      %dma_start3A_82 = arith.constant 0 : i32
      %dma_start3A_83 = tpu.memref_slice %arg2[%multiple_of3A, %dma_start3A_82] : memref<4096x128xf32, #tpu.memory_space<hbm>> -> memref<128x128xf32, #tpu.memory_space<hbm>>
      tpu.enqueue_dma source(%dma_start3A_83 : memref<128x128xf32, #tpu.memory_space<hbm>>) target(%arg12 : memref<128x128xf32, #tpu.memory_space<vmem>>) target_semaphore(%run_scoped3A : memref<!tpu.dma_semaphore, #tpu.memory_space<semaphore_mem>>)
      %dma_wait3A_84 = arith.constant 0 : i32
      %dma_wait3A_85 = tpu.memref_slice %arg2[%multiple_of3A, %dma_wait3A_84] : memref<4096x128xf32, #tpu.memory_space<hbm>> -> memref<128x128xf32, #tpu.memory_space<hbm>>
      %dma_wait3A_86 = arith.constant 0 : i32
      %dma_wait3A_87 = tpu.memref_slice %arg2[%multiple_of3A, %dma_wait3A_86] : memref<4096x128xf32, #tpu.memory_space<hbm>> -> memref<128x128xf32, #tpu.memory_space<hbm>>
      tpu.wait_dma2 semaphore(%run_scoped3A : memref<!tpu.dma_semaphore, #tpu.memory_space<semaphore_mem>>) src(%dma_wait3A_87 : memref<128x128xf32, #tpu.memory_space<hbm>>) dst(%arg12 : memref<128x128xf32, #tpu.memory_space<vmem>>)
      tpu.yield
    }) : () -> ()
    %broadcast_in_dim3A = arith.constant 0.000000e+00 : f32
    %broadcast_in_dim3A_3 = vector.broadcast %broadcast_in_dim3A : f32 to vector<16xf32>
    %scan3A = arith.constant 0 : i32
    %scan3A_4 = arith.constant 0 : i32
    %scan3A_5 = arith.constant 128 : i32
    %scan3A_6 = arith.addi %scan3A_4, %scan3A_5 : i32
    %scan3A_7 = arith.constant 1 : i32
    scf.for %scan3A_80 = %scan3A_4 to %scan3A_6 step %scan3A_7  : i32 {
      %swap3A_81 = arith.index_cast %scan3A_80 : i32 to index
      %swap3A_82 = arith.constant 0 : index
      %swap3A_83 = tpu.vector_load %arg15[%swap3A_81, %swap3A_82] {strides = array<i32>} : memref<128x128xf32, #tpu.memory_space<vmem>>, vector<16xf32>,
      tpu.vector_store %arg15[%swap3A_81, %swap3A_82], %broadcast_in_dim3A_3 {strides = array<i32>} : memref<128x128xf32, #tpu.memory_space<vmem>>, vector<16xf32>,
      %swap3A_84 = arith.index_cast %scan3A_80 : i32 to index
      %swap3A_85 = arith.constant 16 : index
      %swap3A_86 = tpu.vector_load %arg15[%swap3A_84, %swap3A_85] {strides = array<i32>} : memref<128x128xf32, #tpu.memory_space<vmem>>, vector<16xf32>,
      tpu.vector_store %arg15[%swap3A_84, %swap3A_85], %broadcast_in_dim3A_3 {strides = array<i32>} : memref<128x128xf32, #tpu.memory_space<vmem>>, vector<16xf32>,
      %swap3A_87 = arith.index_cast %scan3A_80 : i32 to index
      %swap3A_88 = arith.constant 32 : index
      %swap3A_89 = tpu.vector_load %arg15[%swap3A_87, %swap3A_88] {strides = array<i32>} : memref<128x128xf32, #tpu.memory_space<vmem>>, vector<16xf32>,
      tpu.vector_store %arg15[%swap3A_87, %swap3A_88], %broadcast_in_dim3A_3 {strides = array<i32>} : memref<128x128xf32, #tpu.memory_space<vmem>>, vector<16xf32>,
      %swap3A_90 = arith.index_cast %scan3A_80 : i32 to index
      %swap3A_91 = arith.constant 48 : index
      %swap3A_92 = tpu.vector_load %arg15[%swap3A_90, %swap3A_91] {strides = array<i32>} : memref<128x128xf32, #tpu.memory_space<vmem>>, vector<16xf32>,
      tpu.vector_store %arg15[%swap3A_90, %swap3A_91], %broadcast_in_dim3A_3 {strides = array<i32>} : memref<128x128xf32, #tpu.memory_space<vmem>>, vector<16xf32>,
      %swap3A_93 = arith.index_cast %scan3A_80 : i32 to index
      %swap3A_94 = arith.constant 64 : index
      %swap3A_95 = tpu.vector_load %arg15[%swap3A_93, %swap3A_94] {strides = array<i32>} : memref<128x128xf32, #tpu.memory_space<vmem>>, vector<16xf32>,
      tpu.vector_store %arg15[%swap3A_93, %swap3A_94], %broadcast_in_dim3A_3 {strides = array<i32>} : memref<128x128xf32, #tpu.memory_space<vmem>>, vector<16xf32>,
      %swap3A_96 = arith.index_cast %scan3A_80 : i32 to index
      %swap3A_97 = arith.constant 80 : index
      %swap3A_98 = tpu.vector_load %arg15[%swap3A_96, %swap3A_97] {strides = array<i32>} : memref<128x128xf32, #tpu.memory_space<vmem>>, vector<16xf32>,
      tpu.vector_store %arg15[%swap3A_96, %swap3A_97], %broadcast_in_dim3A_3 {strides = array<i32>} : memref<128x128xf32, #tpu.memory_space<vmem>>, vector<16xf32>,
      %swap3A_99 = arith.index_cast %scan3A_80 : i32 to index
      %swap3A_100 = arith.constant 96 : index
      %swap3A_101 = tpu.vector_load %arg15[%swap3A_99, %swap3A_100] {strides = array<i32>} : memref<128x128xf32, #tpu.memory_space<vmem>>, vector<16xf32>,
      tpu.vector_store %arg15[%swap3A_99, %swap3A_100], %broadcast_in_dim3A_3 {strides = array<i32>} : memref<128x128xf32, #tpu.memory_space<vmem>>, vector<16xf32>,
      %swap3A_102 = arith.index_cast %scan3A_80 : i32 to index
      %swap3A_103 = arith.constant 112 : index
      %swap3A_104 = tpu.vector_load %arg15[%swap3A_102, %swap3A_103] {strides = array<i32>} : memref<128x128xf32, #tpu.memory_space<vmem>>, vector<16xf32>,
      tpu.vector_store %arg15[%swap3A_102, %swap3A_103], %broadcast_in_dim3A_3 {strides = array<i32>} : memref<128x128xf32, #tpu.memory_space<vmem>>, vector<16xf32>,
      %swap3A_105 = arith.index_cast %scan3A_80 : i32 to index
      %swap3A_106 = arith.constant 0 : index
      %swap3A_107 = tpu.vector_load %arg16[%swap3A_105, %swap3A_106] {strides = array<i32>} : memref<128x128xf32, #tpu.memory_space<vmem>>, vector<16xf32>,
      tpu.vector_store %arg16[%swap3A_105, %swap3A_106], %broadcast_in_dim3A_3 {strides = array<i32>} : memref<128x128xf32, #tpu.memory_space<vmem>>, vector<16xf32>,
      %swap3A_108 = arith.index_cast %scan3A_80 : i32 to index
      %swap3A_109 = arith.constant 16 : index
      %swap3A_110 = tpu.vector_load %arg16[%swap3A_108, %swap3A_109] {strides = array<i32>} : memref<128x128xf32, #tpu.memory_space<vmem>>, vector<16xf32>,
      tpu.vector_store %arg16[%swap3A_108, %swap3A_109], %broadcast_in_dim3A_3 {strides = array<i32>} : memref<128x128xf32, #tpu.memory_space<vmem>>, vector<16xf32>,
      %swap3A_111 = arith.index_cast %scan3A_80 : i32 to index
      %swap3A_112 = arith.constant 32 : index
      %swap3A_113 = tpu.vector_load %arg16[%swap3A_111, %swap3A_112] {strides = array<i32>} : memref<128x128xf32, #tpu.memory_space<vmem>>, vector<16xf32>,
      tpu.vector_store %arg16[%swap3A_111, %swap3A_112], %broadcast_in_dim3A_3 {strides = array<i32>} : memref<128x128xf32, #tpu.memory_space<vmem>>, vector<16xf32>,
      %swap3A_114 = arith.index_cast %scan3A_80 : i32 to index
      %swap3A_115 = arith.constant 48 : index
      %swap3A_116 = tpu.vector_load %arg16[%swap3A_114, %swap3A_115] {strides = array<i32>} : memref<128x128xf32, #tpu.memory_space<vmem>>, vector<16xf32>,
      tpu.vector_store %arg16[%swap3A_114, %swap3A_115], %broadcast_in_dim3A_3 {strides = array<i32>} : memref<128x128xf32, #tpu.memory_space<vmem>>, vector<16xf32>,
      %swap3A_117 = arith.index_cast %scan3A_80 : i32 to index
      %swap3A_118 = arith.constant 64 : index
      %swap3A_119 = tpu.vector_load %arg16[%swap3A_117, %swap3A_118] {strides = array<i32>} : memref<128x128xf32, #tpu.memory_space<vmem>>, vector<16xf32>,
      tpu.vector_store %arg16[%swap3A_117, %swap3A_118], %broadcast_in_dim3A_3 {strides = array<i32>} : memref<128x128xf32, #tpu.memory_space<vmem>>, vector<16xf32>,
      %swap3A_120 = arith.index_cast %scan3A_80 : i32 to index
      %swap3A_121 = arith.constant 80 : index
      %swap3A_122 = tpu.vector_load %arg16[%swap3A_120, %swap3A_121] {strides = array<i32>} : memref<128x128xf32, #tpu.memory_space<vmem>>, vector<16xf32>,
      tpu.vector_store %arg16[%swap3A_120, %swap3A_121], %broadcast_in_dim3A_3 {strides = array<i32>} : memref<128x128xf32, #tpu.memory_space<vmem>>, vector<16xf32>,
      %swap3A_123 = arith.index_cast %scan3A_80 : i32 to index
      %swap3A_124 = arith.constant 96 : index
      %swap3A_125 = tpu.vector_load %arg16[%swap3A_123, %swap3A_124] {strides = array<i32>} : memref<128x128xf32, #tpu.memory_space<vmem>>, vector<16xf32>,
      tpu.vector_store %arg16[%swap3A_123, %swap3A_124], %broadcast_in_dim3A_3 {strides = array<i32>} : memref<128x128xf32, #tpu.memory_space<vmem>>, vector<16xf32>,
      %swap3A_126 = arith.index_cast %scan3A_80 : i32 to index
      %swap3A_127 = arith.constant 112 : index
      %swap3A_128 = tpu.vector_load %arg16[%swap3A_126, %swap3A_127] {strides = array<i32>} : memref<128x128xf32, #tpu.memory_space<vmem>>, vector<16xf32>,
      tpu.vector_store %arg16[%swap3A_126, %swap3A_127], %broadcast_in_dim3A_3 {strides = array<i32>} : memref<128x128xf32, #tpu.memory_space<vmem>>, vector<16xf32>,
      %swap3A_129 = arith.index_cast %scan3A_80 : i32 to index
      %swap3A_130 = arith.constant 0 : index
      %swap3A_131 = tpu.vector_load %arg17[%swap3A_129, %swap3A_130] {strides = array<i32>} : memref<128x128xf32, #tpu.memory_space<vmem>>, vector<16xf32>,
      tpu.vector_store %arg17[%swap3A_129, %swap3A_130], %broadcast_in_dim3A_3 {strides = array<i32>} : memref<128x128xf32, #tpu.memory_space<vmem>>, vector<16xf32>,
      %swap3A_132 = arith.index_cast %scan3A_80 : i32 to index
      %swap3A_133 = arith.constant 16 : index
      %swap3A_134 = tpu.vector_load %arg17[%swap3A_132, %swap3A_133] {strides = array<i32>} : memref<128x128xf32, #tpu.memory_space<vmem>>, vector<16xf32>,
      tpu.vector_store %arg17[%swap3A_132, %swap3A_133], %broadcast_in_dim3A_3 {strides = array<i32>} : memref<128x128xf32, #tpu.memory_space<vmem>>, vector<16xf32>,
      %swap3A_135 = arith.index_cast %scan3A_80 : i32 to index
      %swap3A_136 = arith.constant 32 : index
      %swap3A_137 = tpu.vector_load %arg17[%swap3A_135, %swap3A_136] {strides = array<i32>} : memref<128x128xf32, #tpu.memory_space<vmem>>, vector<16xf32>,
      tpu.vector_store %arg17[%swap3A_135, %swap3A_136], %broadcast_in_dim3A_3 {strides = array<i32>} : memref<128x128xf32, #tpu.memory_space<vmem>>, vector<16xf32>,
      %swap3A_138 = arith.index_cast %scan3A_80 : i32 to index
      %swap3A_139 = arith.constant 48 : index
      %swap3A_140 = tpu.vector_load %arg17[%swap3A_138, %swap3A_139] {strides = array<i32>} : memref<128x128xf32, #tpu.memory_space<vmem>>, vector<16xf32>,
      tpu.vector_store %arg17[%swap3A_138, %swap3A_139], %broadcast_in_dim3A_3 {strides = array<i32>} : memref<128x128xf32, #tpu.memory_space<vmem>>, vector<16xf32>,
      %swap3A_141 = arith.index_cast %scan3A_80 : i32 to index
      %swap3A_142 = arith.constant 64 : index
      %swap3A_143 = tpu.vector_load %arg17[%swap3A_141, %swap3A_142] {strides = array<i32>} : memref<128x128xf32, #tpu.memory_space<vmem>>, vector<16xf32>,
      tpu.vector_store %arg17[%swap3A_141, %swap3A_142], %broadcast_in_dim3A_3 {strides = array<i32>} : memref<128x128xf32, #tpu.memory_space<vmem>>, vector<16xf32>,
      %swap3A_144 = arith.index_cast %scan3A_80 : i32 to index
      %swap3A_145 = arith.constant 80 : index
      %swap3A_146 = tpu.vector_load %arg17[%swap3A_144, %swap3A_145] {strides = array<i32>} : memref<128x128xf32, #tpu.memory_space<vmem>>, vector<16xf32>,
      tpu.vector_store %arg17[%swap3A_144, %swap3A_145], %broadcast_in_dim3A_3 {strides = array<i32>} : memref<128x128xf32, #tpu.memory_space<vmem>>, vector<16xf32>,
      %swap3A_147 = arith.index_cast %scan3A_80 : i32 to index
      %swap3A_148 = arith.constant 96 : index
      %swap3A_149 = tpu.vector_load %arg17[%swap3A_147, %swap3A_148] {strides = array<i32>} : memref<128x128xf32, #tpu.memory_space<vmem>>, vector<16xf32>,
      tpu.vector_store %arg17[%swap3A_147, %swap3A_148], %broadcast_in_dim3A_3 {strides = array<i32>} : memref<128x128xf32, #tpu.memory_space<vmem>>, vector<16xf32>,
      %swap3A_150 = arith.index_cast %scan3A_80 : i32 to index
      %swap3A_151 = arith.constant 112 : index
      %swap3A_152 = tpu.vector_load %arg17[%swap3A_150, %swap3A_151] {strides = array<i32>} : memref<128x128xf32, #tpu.memory_space<vmem>>, vector<16xf32>,
      tpu.vector_store %arg17[%swap3A_150, %swap3A_151], %broadcast_in_dim3A_3 {strides = array<i32>} : memref<128x128xf32, #tpu.memory_space<vmem>>, vector<16xf32>,
      %swap3A_153 = arith.index_cast %scan3A_80 : i32 to index
      %swap3A_154 = arith.constant 0 : index
      %swap3A_155 = tpu.vector_load %arg18[%swap3A_153, %swap3A_154] {strides = array<i32>} : memref<128x128xf32, #tpu.memory_space<vmem>>, vector<16xf32>,
      tpu.vector_store %arg18[%swap3A_153, %swap3A_154], %broadcast_in_dim3A_3 {strides = array<i32>} : memref<128x128xf32, #tpu.memory_space<vmem>>, vector<16xf32>,
      %swap3A_156 = arith.index_cast %scan3A_80 : i32 to index
      %swap3A_157 = arith.constant 16 : index
      %swap3A_158 = tpu.vector_load %arg18[%swap3A_156, %swap3A_157] {strides = array<i32>} : memref<128x128xf32, #tpu.memory_space<vmem>>, vector<16xf32>,
      tpu.vector_store %arg18[%swap3A_156, %swap3A_157], %broadcast_in_dim3A_3 {strides = array<i32>} : memref<128x128xf32, #tpu.memory_space<vmem>>, vector<16xf32>,
      %swap3A_159 = arith.index_cast %scan3A_80 : i32 to index
      %swap3A_160 = arith.constant 32 : index
      %swap3A_161 = tpu.vector_load %arg18[%swap3A_159, %swap3A_160] {strides = array<i32>} : memref<128x128xf32, #tpu.memory_space<vmem>>, vector<16xf32>,
      tpu.vector_store %arg18[%swap3A_159, %swap3A_160], %broadcast_in_dim3A_3 {strides = array<i32>} : memref<128x128xf32, #tpu.memory_space<vmem>>, vector<16xf32>,
      %swap3A_162 = arith.index_cast %scan3A_80 : i32 to index
      %swap3A_163 = arith.constant 48 : index
      %swap3A_164 = tpu.vector_load %arg18[%swap3A_162, %swap3A_163] {strides = array<i32>} : memref<128x128xf32, #tpu.memory_space<vmem>>, vector<16xf32>,
      tpu.vector_store %arg18[%swap3A_162, %swap3A_163], %broadcast_in_dim3A_3 {strides = array<i32>} : memref<128x128xf32, #tpu.memory_space<vmem>>, vector<16xf32>,
      %swap3A_165 = arith.index_cast %scan3A_80 : i32 to index
      %swap3A_166 = arith.constant 64 : index
      %swap3A_167 = tpu.vector_load %arg18[%swap3A_165, %swap3A_166] {strides = array<i32>} : memref<128x128xf32, #tpu.memory_space<vmem>>, vector<16xf32>,
      tpu.vector_store %arg18[%swap3A_165, %swap3A_166], %broadcast_in_dim3A_3 {strides = array<i32>} : memref<128x128xf32, #tpu.memory_space<vmem>>, vector<16xf32>,
      %swap3A_168 = arith.index_cast %scan3A_80 : i32 to index
      %swap3A_169 = arith.constant 80 : index
      %swap3A_170 = tpu.vector_load %arg18[%swap3A_168, %swap3A_169] {strides = array<i32>} : memref<128x128xf32, #tpu.memory_space<vmem>>, vector<16xf32>,
      tpu.vector_store %arg18[%swap3A_168, %swap3A_169], %broadcast_in_dim3A_3 {strides = array<i32>} : memref<128x128xf32, #tpu.memory_space<vmem>>, vector<16xf32>,
      %swap3A_171 = arith.index_cast %scan3A_80 : i32 to index
      %swap3A_172 = arith.constant 96 : index
      %swap3A_173 = tpu.vector_load %arg18[%swap3A_171, %swap3A_172] {strides = array<i32>} : memref<128x128xf32, #tpu.memory_space<vmem>>, vector<16xf32>,
      tpu.vector_store %arg18[%swap3A_171, %swap3A_172], %broadcast_in_dim3A_3 {strides = array<i32>} : memref<128x128xf32, #tpu.memory_space<vmem>>, vector<16xf32>,
      %swap3A_174 = arith.index_cast %scan3A_80 : i32 to index
      %swap3A_175 = arith.constant 112 : index
      %swap3A_176 = tpu.vector_load %arg18[%swap3A_174, %swap3A_175] {strides = array<i32>} : memref<128x128xf32, #tpu.memory_space<vmem>>, vector<16xf32>,
      tpu.vector_store %arg18[%swap3A_174, %swap3A_175], %broadcast_in_dim3A_3 {strides = array<i32>} : memref<128x128xf32, #tpu.memory_space<vmem>>, vector<16xf32>,
    }
    %scan3A_8 = arith.constant 128 : i32
    %add3A_9 = arith.constant 0 : i32
    %add3A_10 = arith.addi %multiple_of3A, %add3A_9 : i32
    %dma_start3A = arith.constant 0 : i32
    %dma_start3A_11 = tpu.memref_slice %arg3[%add3A_10, %dma_start3A] : memref<4096x8128xf32, #tpu.memory_space<hbm>> -> memref<1x8128xf32, #tpu.memory_space<hbm>>
    %dma_start3A_12 = tpu.memref_squeeze %dma_start3A_11 : memref<1x8128xf32, #tpu.memory_space<hbm>> -> memref<8128xf32, #tpu.memory_space<hbm>>
    %dma_start3A_13 = arith.constant 0 : i32
    %dma_start3A_14 = tpu.memref_slice %arg3[%add3A_10, %dma_start3A_13] : memref<4096x8128xf32, #tpu.memory_space<hbm>> -> memref<1x8128xf32, #tpu.memory_space<hbm>>
    %dma_start3A_15 = tpu.memref_squeeze %dma_start3A_14 : memref<1x8128xf32, #tpu.memory_space<hbm>> -> memref<8128xf32, #tpu.memory_space<hbm>>
    tpu.enqueue_dma source(%dma_start3A_15 : memref<8128xf32, #tpu.memory_space<hbm>>) target(%arg8 : memref<8128xf32, #tpu.memory_space<vmem>>) target_semaphore(%arg20 : memref<!tpu.dma_semaphore, #tpu.memory_space<semaphore_mem>>)
    %add3A_16 = arith.constant 1 : i32
    %add3A_17 = arith.addi %multiple_of3A, %add3A_16 : i32
    %dma_start3A_18 = arith.constant 0 : i32
    %dma_start3A_19 = tpu.memref_slice %arg3[%add3A_17, %dma_start3A_18] : memref<4096x8128xf32, #tpu.memory_space<hbm>> -> memref<1x8128xf32, #tpu.memory_space<hbm>>
    %dma_start3A_20 = tpu.memref_squeeze %dma_start3A_19 : memref<1x8128xf32, #tpu.memory_space<hbm>> -> memref<8128xf32, #tpu.memory_space<hbm>>
    %dma_start3A_21 = arith.constant 0 : i32
    %dma_start3A_22 = tpu.memref_slice %arg3[%add3A_17, %dma_start3A_21] : memref<4096x8128xf32, #tpu.memory_space<hbm>> -> memref<1x8128xf32, #tpu.memory_space<hbm>>
    %dma_start3A_23 = tpu.memref_squeeze %dma_start3A_22 : memref<1x8128xf32, #tpu.memory_space<hbm>> -> memref<8128xf32, #tpu.memory_space<hbm>>
    tpu.enqueue_dma source(%dma_start3A_23 : memref<8128xf32, #tpu.memory_space<hbm>>) target(%arg9 : memref<8128xf32, #tpu.memory_space<vmem>>) target_semaphore(%arg20 : memref<!tpu.dma_semaphore, #tpu.memory_space<semaphore_mem>>)
    %add3A_24 = arith.constant 2 : i32
    %add3A_25 = arith.addi %multiple_of3A, %add3A_24 : i32
    %dma_start3A_26 = arith.constant 0 : i32
    %dma_start3A_27 = tpu.memref_slice %arg3[%add3A_25, %dma_start3A_26] : memref<4096x8128xf32, #tpu.memory_space<hbm>> -> memref<1x8128xf32, #tpu.memory_space<hbm>>
    %dma_start3A_28 = tpu.memref_squeeze %dma_start3A_27 : memref<1x8128xf32, #tpu.memory_space<hbm>> -> memref<8128xf32, #tpu.memory_space<hbm>>
    %dma_start3A_29 = arith.constant 0 : i32
    %dma_start3A_30 = tpu.memref_slice %arg3[%add3A_25, %dma_start3A_29] : memref<4096x8128xf32, #tpu.memory_space<hbm>> -> memref<1x8128xf32, #tpu.memory_space<hbm>>
    %dma_start3A_31 = tpu.memref_squeeze %dma_start3A_30 : memref<1x8128xf32, #tpu.memory_space<hbm>> -> memref<8128xf32, #tpu.memory_space<hbm>>
    tpu.enqueue_dma source(%dma_start3A_31 : memref<8128xf32, #tpu.memory_space<hbm>>) target(%arg10 : memref<8128xf32, #tpu.memory_space<vmem>>) target_semaphore(%arg20 : memref<!tpu.dma_semaphore, #tpu.memory_space<semaphore_mem>>)
    %add3A_32 = arith.constant 3 : i32
    %add3A_33 = arith.addi %multiple_of3A, %add3A_32 : i32
    %dma_start3A_34 = arith.constant 0 : i32
    %dma_start3A_35 = tpu.memref_slice %arg3[%add3A_33, %dma_start3A_34] : memref<4096x8128xf32, #tpu.memory_space<hbm>> -> memref<1x8128xf32, #tpu.memory_space<hbm>>
    %dma_start3A_36 = tpu.memref_squeeze %dma_start3A_35 : memref<1x8128xf32, #tpu.memory_space<hbm>> -> memref<8128xf32, #tpu.memory_space<hbm>>
    %dma_start3A_37 = arith.constant 0 : i32
    %dma_start3A_38 = tpu.memref_slice %arg3[%add3A_33, %dma_start3A_37] : memref<4096x8128xf32, #tpu.memory_space<hbm>> -> memref<1x8128xf32, #tpu.memory_space<hbm>>
    %dma_start3A_39 = tpu.memref_squeeze %dma_start3A_38 : memref<1x8128xf32, #tpu.memory_space<hbm>> -> memref<8128xf32, #tpu.memory_space<hbm>>
    tpu.enqueue_dma source(%dma_start3A_39 : memref<8128xf32, #tpu.memory_space<hbm>>) target(%arg11 : memref<8128xf32, #tpu.memory_space<vmem>>) target_semaphore(%arg20 : memref<!tpu.dma_semaphore, #tpu.memory_space<semaphore_mem>>)
    %broadcast_in_dim3A_40 = arith.constant 0.000000e+00 : f32
    %broadcast_in_dim3A_41 = vector.broadcast %broadcast_in_dim3A_40 : f32 to vector<16xf32>
    %scan3A_42 = arith.constant 0 : i32
    %scan3A_43 = arith.constant 32 : i32
    %scan3A_44 = arith.addi %scan3A_42, %scan3A_43 : i32
    %scan3A_45 = arith.constant 1 : i32
    %scan3A_46 = scf.for %scan3A_80 = %scan3A_42 to %scan3A_44 step %scan3A_45 iter_args(%scan3A_81 = %broadcast_in_dim3A_41) -> (vector<16xf32>)  : i32 {
      %mul3A_82 = arith.constant 4 : i32
      %mul3A_83 = arith.muli %scan3A_80, %mul3A_82 : i32
      %add3A_84 = arith.addi %multiple_of3A, %mul3A_83 : i32
      %add3A_85 = arith.constant 0 : i32
      %add3A_86 = arith.addi %add3A_84, %add3A_85 : i32
      %gt3A = arith.constant 0 : i32
      %gt3A_87 = arith.cmpi sgt, %scan3A_80, %gt3A : i32
      %convert_element_type3A = arith.extui %gt3A_87 : i1 to i32
      %cond3A = arith.constant 0 : i32
      %cond3A_88 = arith.cmpi ne, %convert_element_type3A, %cond3A : i32
      scf.if %cond3A_88 {
        %dma_wait3A_529 = arith.constant 0 : i32
        %dma_wait3A_530 = arith.constant 0 : i32
        %dma_wait3A_531 = tpu.memref_slice %arg6[%add3A_86, %dma_wait3A_529, %dma_wait3A_530] : memref<4096x128x128xf32, #tpu.memory_space<hbm>> -> memref<1x128x128xf32, #tpu.memory_space<hbm>>
        %dma_wait3A_532 = tpu.memref_squeeze %dma_wait3A_531 : memref<1x128x128xf32, #tpu.memory_space<hbm>> -> memref<128x128xf32, #tpu.memory_space<hbm>>
        %dma_wait3A_533 = arith.constant 0 : i32
        %dma_wait3A_534 = arith.constant 0 : i32
        %dma_wait3A_535 = tpu.memref_slice %arg6[%add3A_86, %dma_wait3A_533, %dma_wait3A_534] : memref<4096x128x128xf32, #tpu.memory_space<hbm>> -> memref<1x128x128xf32, #tpu.memory_space<hbm>>
        %dma_wait3A_536 = tpu.memref_squeeze %dma_wait3A_535 : memref<1x128x128xf32, #tpu.memory_space<hbm>> -> memref<128x128xf32, #tpu.memory_space<hbm>>
        tpu.wait_dma2 semaphore(%arg21 : memref<!tpu.dma_semaphore, #tpu.memory_space<semaphore_mem>>) src(%arg15 : memref<128x128xf32, #tpu.memory_space<vmem>>) dst(%dma_wait3A_536 : memref<128x128xf32, #tpu.memory_space<hbm>>)
      } else {
      }
      %dma_wait3A_89 = arith.constant 0 : i32
      %dma_wait3A_90 = tpu.memref_slice %arg3[%add3A_86, %dma_wait3A_89] : memref<4096x8128xf32, #tpu.memory_space<hbm>> -> memref<1x8128xf32, #tpu.memory_space<hbm>>
      %dma_wait3A_91 = tpu.memref_squeeze %dma_wait3A_90 : memref<1x8128xf32, #tpu.memory_space<hbm>> -> memref<8128xf32, #tpu.memory_space<hbm>>
      %dma_wait3A_92 = arith.constant 0 : i32
      %dma_wait3A_93 = tpu.memref_slice %arg3[%add3A_86, %dma_wait3A_92] : memref<4096x8128xf32, #tpu.memory_space<hbm>> -> memref<1x8128xf32, #tpu.memory_space<hbm>>
      %dma_wait3A_94 = tpu.memref_squeeze %dma_wait3A_93 : memref<1x8128xf32, #tpu.memory_space<hbm>> -> memref<8128xf32, #tpu.memory_space<hbm>>
      tpu.wait_dma2 semaphore(%arg20 : memref<!tpu.dma_semaphore, #tpu.memory_space<semaphore_mem>>) src(%dma_wait3A_94 : memref<8128xf32, #tpu.memory_space<hbm>>) dst(%arg8 : memref<8128xf32, #tpu.memory_space<vmem>>)
      %mul3A_95 = arith.constant 4 : i32
      %mul3A_96 = arith.muli %scan3A_80, %mul3A_95 : i32
      %add3A_97 = arith.constant 0 : i32
      %add3A_98 = arith.addi %mul3A_96, %add3A_97 : i32
      %parallel_loop3A = arith.constant 0 : i32
      %parallel_loop3A_99 = arith.constant 508 : i32
      %parallel_loop3A_100 = arith.constant 1 : i32
      scf.for %parallel_loop3A_529 = %parallel_loop3A to %parallel_loop3A_99 step %parallel_loop3A_100  : i32 {
        %parallel_loop3A_530 = arith.constant 16 : i32
        %parallel_loop3A_531 = arith.muli %parallel_loop3A_529, %parallel_loop3A_530 : i32
        %parallel_loop3A_532 = arith.index_cast %parallel_loop3A_531 : i32 to index
        %parallel_loop3A_533 = tpu.vector_load %arg8[%parallel_loop3A_532] {strides = array<i32>} : memref<8128xf32, #tpu.memory_space<vmem>>, vector<16xf32>,
        %parallel_loop3A_534 = arith.constant 16 : i32
        %parallel_loop3A_535 = arith.muli %parallel_loop3A_529, %parallel_loop3A_534 : i32
        %parallel_loop3A_536 = arith.index_cast %parallel_loop3A_535 : i32 to index
        %parallel_loop3A_537 = tpu.vector_load %arg13[%parallel_loop3A_536] {strides = array<i32>} : memref<8128xi32, #tpu.memory_space<vmem>>, vector<16xi32>,
        %parallel_loop3A_538 = arith.constant 7 : i32
        %parallel_loop3A_539 = vector.broadcast %parallel_loop3A_538 : i32 to vector<16xi32>
        %parallel_loop3A_540 = arith.shrui %parallel_loop3A_537, %parallel_loop3A_539 : vector<16xi32>
        %parallel_loop3A_541 = arith.constant 127 : i32
        %parallel_loop3A_542 = vector.broadcast %parallel_loop3A_541 : i32 to vector<16xi32>
        %parallel_loop3A_543 = arith.andi %parallel_loop3A_537, %parallel_loop3A_542 : vector<16xi32>
        tpu.vector_store_idx %arg15[%parallel_loop3A_540, %parallel_loop3A_543], %parallel_loop3A_533 : memref<128x128xf32, #tpu.memory_space<vmem>>[vector<16xi32>, vector<16xi32>], vector<16xf32>,
      } {sc.loop_unroll_factor = 16 : i64, sc.parallel_access}
      %get3A = arith.index_cast %add3A_98 : i32 to index
      %get3A_101 = arith.constant 0 : index
      %get3A_102 = tpu.vector_load %arg12[%get3A, %get3A_101] {strides = array<i32>} : memref<128x128xf32, #tpu.memory_space<vmem>>, vector<16xf32>,
      %add3A_103 = arith.addf %scan3A_81, %get3A_102 : vector<16xf32>
      %get3A_104 = arith.constant 0 : index
      %get3A_105 = tpu.vector_load %arg14[%get3A_104] {strides = array<i32>} : memref<128xi32, #tpu.memory_space<vmem>>, vector<16xi32>,
      %shift_right_logical3A = arith.constant 7 : i32
      %shift_right_logical3A_106 = vector.broadcast %shift_right_logical3A : i32 to vector<16xi32>
      %shift_right_logical3A_107 = arith.shrui %get3A_105, %shift_right_logical3A_106 : vector<16xi32>
      %exp3A = math.exp %get3A_102 : vector<16xf32>
      tpu.vector_store_idx %arg15[%shift_right_logical3A_107, %shift_right_logical3A_107], %exp3A : memref<128x128xf32, #tpu.memory_space<vmem>>[vector<16xi32>, vector<16xi32>], vector<16xf32>,
      %get3A_108 = arith.index_cast %add3A_98 : i32 to index
      %get3A_109 = arith.constant 16 : index
      %get3A_110 = tpu.vector_load %arg12[%get3A_108, %get3A_109] {strides = array<i32>} : memref<128x128xf32, #tpu.memory_space<vmem>>, vector<16xf32>,
      %add3A_111 = arith.addf %add3A_103, %get3A_110 : vector<16xf32>
      %get3A_112 = arith.constant 16 : index
      %get3A_113 = tpu.vector_load %arg14[%get3A_112] {strides = array<i32>} : memref<128xi32, #tpu.memory_space<vmem>>, vector<16xi32>,
      %shift_right_logical3A_114 = arith.constant 7 : i32
      %shift_right_logical3A_115 = vector.broadcast %shift_right_logical3A_114 : i32 to vector<16xi32>
      %shift_right_logical3A_116 = arith.shrui %get3A_113, %shift_right_logical3A_115 : vector<16xi32>
      %exp3A_117 = math.exp %get3A_110 : vector<16xf32>
      tpu.vector_store_idx %arg15[%shift_right_logical3A_116, %shift_right_logical3A_116], %exp3A_117 : memref<128x128xf32, #tpu.memory_space<vmem>>[vector<16xi32>, vector<16xi32>], vector<16xf32>,
      %get3A_118 = arith.index_cast %add3A_98 : i32 to index
      %get3A_119 = arith.constant 32 : index
      %get3A_120 = tpu.vector_load %arg12[%get3A_118, %get3A_119] {strides = array<i32>} : memref<128x128xf32, #tpu.memory_space<vmem>>, vector<16xf32>,
      %add3A_121 = arith.addf %add3A_111, %get3A_120 : vector<16xf32>
      %get3A_122 = arith.constant 32 : index
      %get3A_123 = tpu.vector_load %arg14[%get3A_122] {strides = array<i32>} : memref<128xi32, #tpu.memory_space<vmem>>, vector<16xi32>,
      %shift_right_logical3A_124 = arith.constant 7 : i32
      %shift_right_logical3A_125 = vector.broadcast %shift_right_logical3A_124 : i32 to vector<16xi32>
      %shift_right_logical3A_126 = arith.shrui %get3A_123, %shift_right_logical3A_125 : vector<16xi32>
      %exp3A_127 = math.exp %get3A_120 : vector<16xf32>
      tpu.vector_store_idx %arg15[%shift_right_logical3A_126, %shift_right_logical3A_126], %exp3A_127 : memref<128x128xf32, #tpu.memory_space<vmem>>[vector<16xi32>, vector<16xi32>], vector<16xf32>,
      %get3A_128 = arith.index_cast %add3A_98 : i32 to index
      %get3A_129 = arith.constant 48 : index
      %get3A_130 = tpu.vector_load %arg12[%get3A_128, %get3A_129] {strides = array<i32>} : memref<128x128xf32, #tpu.memory_space<vmem>>, vector<16xf32>,
      %add3A_131 = arith.addf %add3A_121, %get3A_130 : vector<16xf32>
      %get3A_132 = arith.constant 48 : index
      %get3A_133 = tpu.vector_load %arg14[%get3A_132] {strides = array<i32>} : memref<128xi32, #tpu.memory_space<vmem>>, vector<16xi32>,
      %shift_right_logical3A_134 = arith.constant 7 : i32
      %shift_right_logical3A_135 = vector.broadcast %shift_right_logical3A_134 : i32 to vector<16xi32>
      %shift_right_logical3A_136 = arith.shrui %get3A_133, %shift_right_logical3A_135 : vector<16xi32>
      %exp3A_137 = math.exp %get3A_130 : vector<16xf32>
      tpu.vector_store_idx %arg15[%shift_right_logical3A_136, %shift_right_logical3A_136], %exp3A_137 : memref<128x128xf32, #tpu.memory_space<vmem>>[vector<16xi32>, vector<16xi32>], vector<16xf32>,
      %get3A_138 = arith.index_cast %add3A_98 : i32 to index
      %get3A_139 = arith.constant 64 : index
      %get3A_140 = tpu.vector_load %arg12[%get3A_138, %get3A_139] {strides = array<i32>} : memref<128x128xf32, #tpu.memory_space<vmem>>, vector<16xf32>,
      %add3A_141 = arith.addf %add3A_131, %get3A_140 : vector<16xf32>
      %get3A_142 = arith.constant 64 : index
      %get3A_143 = tpu.vector_load %arg14[%get3A_142] {strides = array<i32>} : memref<128xi32, #tpu.memory_space<vmem>>, vector<16xi32>,
      %shift_right_logical3A_144 = arith.constant 7 : i32
      %shift_right_logical3A_145 = vector.broadcast %shift_right_logical3A_144 : i32 to vector<16xi32>
      %shift_right_logical3A_146 = arith.shrui %get3A_143, %shift_right_logical3A_145 : vector<16xi32>
      %exp3A_147 = math.exp %get3A_140 : vector<16xf32>
      tpu.vector_store_idx %arg15[%shift_right_logical3A_146, %shift_right_logical3A_146], %exp3A_147 : memref<128x128xf32, #tpu.memory_space<vmem>>[vector<16xi32>, vector<16xi32>], vector<16xf32>,
      %get3A_148 = arith.index_cast %add3A_98 : i32 to index
      %get3A_149 = arith.constant 80 : index
      %get3A_150 = tpu.vector_load %arg12[%get3A_148, %get3A_149] {strides = array<i32>} : memref<128x128xf32, #tpu.memory_space<vmem>>, vector<16xf32>,
      %add3A_151 = arith.addf %add3A_141, %get3A_150 : vector<16xf32>
      %get3A_152 = arith.constant 80 : index
      %get3A_153 = tpu.vector_load %arg14[%get3A_152] {strides = array<i32>} : memref<128xi32, #tpu.memory_space<vmem>>, vector<16xi32>,
      %shift_right_logical3A_154 = arith.constant 7 : i32
      %shift_right_logical3A_155 = vector.broadcast %shift_right_logical3A_154 : i32 to vector<16xi32>
      %shift_right_logical3A_156 = arith.shrui %get3A_153, %shift_right_logical3A_155 : vector<16xi32>
      %exp3A_157 = math.exp %get3A_150 : vector<16xf32>
      tpu.vector_store_idx %arg15[%shift_right_logical3A_156, %shift_right_logical3A_156], %exp3A_157 : memref<128x128xf32, #tpu.memory_space<vmem>>[vector<16xi32>, vector<16xi32>], vector<16xf32>,
      %get3A_158 = arith.index_cast %add3A_98 : i32 to index
      %get3A_159 = arith.constant 96 : index
      %get3A_160 = tpu.vector_load %arg12[%get3A_158, %get3A_159] {strides = array<i32>} : memref<128x128xf32, #tpu.memory_space<vmem>>, vector<16xf32>,
      %add3A_161 = arith.addf %add3A_151, %get3A_160 : vector<16xf32>
      %get3A_162 = arith.constant 96 : index
      %get3A_163 = tpu.vector_load %arg14[%get3A_162] {strides = array<i32>} : memref<128xi32, #tpu.memory_space<vmem>>, vector<16xi32>,
      %shift_right_logical3A_164 = arith.constant 7 : i32
      %shift_right_logical3A_165 = vector.broadcast %shift_right_logical3A_164 : i32 to vector<16xi32>
      %shift_right_logical3A_166 = arith.shrui %get3A_163, %shift_right_logical3A_165 : vector<16xi32>
      %exp3A_167 = math.exp %get3A_160 : vector<16xf32>
      tpu.vector_store_idx %arg15[%shift_right_logical3A_166, %shift_right_logical3A_166], %exp3A_167 : memref<128x128xf32, #tpu.memory_space<vmem>>[vector<16xi32>, vector<16xi32>], vector<16xf32>,
      %get3A_168 = arith.index_cast %add3A_98 : i32 to index
      %get3A_169 = arith.constant 112 : index
      %get3A_170 = tpu.vector_load %arg12[%get3A_168, %get3A_169] {strides = array<i32>} : memref<128x128xf32, #tpu.memory_space<vmem>>, vector<16xf32>,
      %add3A_171 = arith.addf %add3A_161, %get3A_170 : vector<16xf32>
      %get3A_172 = arith.constant 112 : index
      %get3A_173 = tpu.vector_load %arg14[%get3A_172] {strides = array<i32>} : memref<128xi32, #tpu.memory_space<vmem>>, vector<16xi32>,
      %shift_right_logical3A_174 = arith.constant 7 : i32
      %shift_right_logical3A_175 = vector.broadcast %shift_right_logical3A_174 : i32 to vector<16xi32>
      %shift_right_logical3A_176 = arith.shrui %get3A_173, %shift_right_logical3A_175 : vector<16xi32>
      %exp3A_177 = math.exp %get3A_170 : vector<16xf32>
      tpu.vector_store_idx %arg15[%shift_right_logical3A_176, %shift_right_logical3A_176], %exp3A_177 : memref<128x128xf32, #tpu.memory_space<vmem>>[vector<16xi32>, vector<16xi32>], vector<16xf32>,
      %lt3A = arith.constant 31 : i32
      %lt3A_178 = arith.cmpi slt, %scan3A_80, %lt3A : i32
      %convert_element_type3A_179 = arith.extui %lt3A_178 : i1 to i32
      %cond3A_180 = arith.constant 0 : i32
      %cond3A_181 = arith.cmpi ne, %convert_element_type3A_179, %cond3A_180 : i32
      scf.if %cond3A_181 {
        %add3A_529 = arith.constant 4 : i32
        %add3A_530 = arith.addi %add3A_86, %add3A_529 : i32
        %dma_start3A_531 = arith.constant 0 : i32
        %dma_start3A_532 = tpu.memref_slice %arg3[%add3A_530, %dma_start3A_531] : memref<4096x8128xf32, #tpu.memory_space<hbm>> -> memref<1x8128xf32, #tpu.memory_space<hbm>>
        %dma_start3A_533 = tpu.memref_squeeze %dma_start3A_532 : memref<1x8128xf32, #tpu.memory_space<hbm>> -> memref<8128xf32, #tpu.memory_space<hbm>>
        %dma_start3A_534 = arith.constant 0 : i32
        %dma_start3A_535 = tpu.memref_slice %arg3[%add3A_530, %dma_start3A_534] : memref<4096x8128xf32, #tpu.memory_space<hbm>> -> memref<1x8128xf32, #tpu.memory_space<hbm>>
        %dma_start3A_536 = tpu.memref_squeeze %dma_start3A_535 : memref<1x8128xf32, #tpu.memory_space<hbm>> -> memref<8128xf32, #tpu.memory_space<hbm>>
        tpu.enqueue_dma source(%dma_start3A_536 : memref<8128xf32, #tpu.memory_space<hbm>>) target(%arg8 : memref<8128xf32, #tpu.memory_space<vmem>>) target_semaphore(%arg20 : memref<!tpu.dma_semaphore, #tpu.memory_space<semaphore_mem>>)
      } else {
      }
      %dma_start3A_182 = arith.constant 0 : i32
      %dma_start3A_183 = arith.constant 0 : i32
      %dma_start3A_184 = tpu.memref_slice %arg6[%add3A_86, %dma_start3A_182, %dma_start3A_183] : memref<4096x128x128xf32, #tpu.memory_space<hbm>> -> memref<1x128x128xf32, #tpu.memory_space<hbm>>
      %dma_start3A_185 = tpu.memref_squeeze %dma_start3A_184 : memref<1x128x128xf32, #tpu.memory_space<hbm>> -> memref<128x128xf32, #tpu.memory_space<hbm>>
      %dma_start3A_186 = arith.constant 0 : i32
      %dma_start3A_187 = arith.constant 0 : i32
      %dma_start3A_188 = tpu.memref_slice %arg6[%add3A_86, %dma_start3A_186, %dma_start3A_187] : memref<4096x128x128xf32, #tpu.memory_space<hbm>> -> memref<1x128x128xf32, #tpu.memory_space<hbm>>
      %dma_start3A_189 = tpu.memref_squeeze %dma_start3A_188 : memref<1x128x128xf32, #tpu.memory_space<hbm>> -> memref<128x128xf32, #tpu.memory_space<hbm>>
      tpu.enqueue_dma source(%arg15 : memref<128x128xf32, #tpu.memory_space<vmem>>) target(%dma_start3A_189 : memref<128x128xf32, #tpu.memory_space<hbm>>) target_semaphore(%arg21 : memref<!tpu.dma_semaphore, #tpu.memory_space<semaphore_mem>>)
      %add3A_190 = arith.constant 1 : i32
      %add3A_191 = arith.addi %add3A_84, %add3A_190 : i32
      %gt3A_192 = arith.constant 0 : i32
      %gt3A_193 = arith.cmpi sgt, %scan3A_80, %gt3A_192 : i32
      %convert_element_type3A_194 = arith.extui %gt3A_193 : i1 to i32
      %cond3A_195 = arith.constant 0 : i32
      %cond3A_196 = arith.cmpi ne, %convert_element_type3A_194, %cond3A_195 : i32
      scf.if %cond3A_196 {
        %dma_wait3A_529 = arith.constant 0 : i32
        %dma_wait3A_530 = arith.constant 0 : i32
        %dma_wait3A_531 = tpu.memref_slice %arg6[%add3A_191, %dma_wait3A_529, %dma_wait3A_530] : memref<4096x128x128xf32, #tpu.memory_space<hbm>> -> memref<1x128x128xf32, #tpu.memory_space<hbm>>
        %dma_wait3A_532 = tpu.memref_squeeze %dma_wait3A_531 : memref<1x128x128xf32, #tpu.memory_space<hbm>> -> memref<128x128xf32, #tpu.memory_space<hbm>>
        %dma_wait3A_533 = arith.constant 0 : i32
        %dma_wait3A_534 = arith.constant 0 : i32
        %dma_wait3A_535 = tpu.memref_slice %arg6[%add3A_191, %dma_wait3A_533, %dma_wait3A_534] : memref<4096x128x128xf32, #tpu.memory_space<hbm>> -> memref<1x128x128xf32, #tpu.memory_space<hbm>>
        %dma_wait3A_536 = tpu.memref_squeeze %dma_wait3A_535 : memref<1x128x128xf32, #tpu.memory_space<hbm>> -> memref<128x128xf32, #tpu.memory_space<hbm>>
        tpu.wait_dma2 semaphore(%arg21 : memref<!tpu.dma_semaphore, #tpu.memory_space<semaphore_mem>>) src(%arg16 : memref<128x128xf32, #tpu.memory_space<vmem>>) dst(%dma_wait3A_536 : memref<128x128xf32, #tpu.memory_space<hbm>>)
      } else {
      }
      %dma_wait3A_197 = arith.constant 0 : i32
      %dma_wait3A_198 = tpu.memref_slice %arg3[%add3A_191, %dma_wait3A_197] : memref<4096x8128xf32, #tpu.memory_space<hbm>> -> memref<1x8128xf32, #tpu.memory_space<hbm>>
      %dma_wait3A_199 = tpu.memref_squeeze %dma_wait3A_198 : memref<1x8128xf32, #tpu.memory_space<hbm>> -> memref<8128xf32, #tpu.memory_space<hbm>>
      %dma_wait3A_200 = arith.constant 0 : i32
      %dma_wait3A_201 = tpu.memref_slice %arg3[%add3A_191, %dma_wait3A_200] : memref<4096x8128xf32, #tpu.memory_space<hbm>> -> memref<1x8128xf32, #tpu.memory_space<hbm>>
      %dma_wait3A_202 = tpu.memref_squeeze %dma_wait3A_201 : memref<1x8128xf32, #tpu.memory_space<hbm>> -> memref<8128xf32, #tpu.memory_space<hbm>>
      tpu.wait_dma2 semaphore(%arg20 : memref<!tpu.dma_semaphore, #tpu.memory_space<semaphore_mem>>) src(%dma_wait3A_202 : memref<8128xf32, #tpu.memory_space<hbm>>) dst(%arg9 : memref<8128xf32, #tpu.memory_space<vmem>>)
      %mul3A_203 = arith.constant 4 : i32
      %mul3A_204 = arith.muli %scan3A_80, %mul3A_203 : i32
      %add3A_205 = arith.constant 1 : i32
      %add3A_206 = arith.addi %mul3A_204, %add3A_205 : i32
      %parallel_loop3A_207 = arith.constant 0 : i32
      %parallel_loop3A_208 = arith.constant 508 : i32
      %parallel_loop3A_209 = arith.constant 1 : i32
      scf.for %parallel_loop3A_529 = %parallel_loop3A_207 to %parallel_loop3A_208 step %parallel_loop3A_209  : i32 {
        %parallel_loop3A_530 = arith.constant 16 : i32
        %parallel_loop3A_531 = arith.muli %parallel_loop3A_529, %parallel_loop3A_530 : i32
        %parallel_loop3A_532 = arith.index_cast %parallel_loop3A_531 : i32 to index
        %parallel_loop3A_533 = tpu.vector_load %arg9[%parallel_loop3A_532] {strides = array<i32>} : memref<8128xf32, #tpu.memory_space<vmem>>, vector<16xf32>,
        %parallel_loop3A_534 = arith.constant 16 : i32
        %parallel_loop3A_535 = arith.muli %parallel_loop3A_529, %parallel_loop3A_534 : i32
        %parallel_loop3A_536 = arith.index_cast %parallel_loop3A_535 : i32 to index
        %parallel_loop3A_537 = tpu.vector_load %arg13[%parallel_loop3A_536] {strides = array<i32>} : memref<8128xi32, #tpu.memory_space<vmem>>, vector<16xi32>,
        %parallel_loop3A_538 = arith.constant 7 : i32
        %parallel_loop3A_539 = vector.broadcast %parallel_loop3A_538 : i32 to vector<16xi32>
        %parallel_loop3A_540 = arith.shrui %parallel_loop3A_537, %parallel_loop3A_539 : vector<16xi32>
        %parallel_loop3A_541 = arith.constant 127 : i32
        %parallel_loop3A_542 = vector.broadcast %parallel_loop3A_541 : i32 to vector<16xi32>
        %parallel_loop3A_543 = arith.andi %parallel_loop3A_537, %parallel_loop3A_542 : vector<16xi32>
        tpu.vector_store_idx %arg16[%parallel_loop3A_540, %parallel_loop3A_543], %parallel_loop3A_533 : memref<128x128xf32, #tpu.memory_space<vmem>>[vector<16xi32>, vector<16xi32>], vector<16xf32>,
      } {sc.loop_unroll_factor = 16 : i64, sc.parallel_access}
      %get3A_210 = arith.index_cast %add3A_206 : i32 to index
      %get3A_211 = arith.constant 0 : index
      %get3A_212 = tpu.vector_load %arg12[%get3A_210, %get3A_211] {strides = array<i32>} : memref<128x128xf32, #tpu.memory_space<vmem>>, vector<16xf32>,
      %add3A_213 = arith.addf %add3A_171, %get3A_212 : vector<16xf32>
      %get3A_214 = arith.constant 0 : index
      %get3A_215 = tpu.vector_load %arg14[%get3A_214] {strides = array<i32>} : memref<128xi32, #tpu.memory_space<vmem>>, vector<16xi32>,
      %shift_right_logical3A_216 = arith.constant 7 : i32
      %shift_right_logical3A_217 = vector.broadcast %shift_right_logical3A_216 : i32 to vector<16xi32>
      %shift_right_logical3A_218 = arith.shrui %get3A_215, %shift_right_logical3A_217 : vector<16xi32>
      %exp3A_219 = math.exp %get3A_212 : vector<16xf32>
      tpu.vector_store_idx %arg16[%shift_right_logical3A_218, %shift_right_logical3A_218], %exp3A_219 : memref<128x128xf32, #tpu.memory_space<vmem>>[vector<16xi32>, vector<16xi32>], vector<16xf32>,
      %get3A_220 = arith.index_cast %add3A_206 : i32 to index
      %get3A_221 = arith.constant 16 : index
      %get3A_222 = tpu.vector_load %arg12[%get3A_220, %get3A_221] {strides = array<i32>} : memref<128x128xf32, #tpu.memory_space<vmem>>, vector<16xf32>,
      %add3A_223 = arith.addf %add3A_213, %get3A_222 : vector<16xf32>
      %get3A_224 = arith.constant 16 : index
      %get3A_225 = tpu.vector_load %arg14[%get3A_224] {strides = array<i32>} : memref<128xi32, #tpu.memory_space<vmem>>, vector<16xi32>,
      %shift_right_logical3A_226 = arith.constant 7 : i32
      %shift_right_logical3A_227 = vector.broadcast %shift_right_logical3A_226 : i32 to vector<16xi32>
      %shift_right_logical3A_228 = arith.shrui %get3A_225, %shift_right_logical3A_227 : vector<16xi32>
      %exp3A_229 = math.exp %get3A_222 : vector<16xf32>
      tpu.vector_store_idx %arg16[%shift_right_logical3A_228, %shift_right_logical3A_228], %exp3A_229 : memref<128x128xf32, #tpu.memory_space<vmem>>[vector<16xi32>, vector<16xi32>], vector<16xf32>,
      %get3A_230 = arith.index_cast %add3A_206 : i32 to index
      %get3A_231 = arith.constant 32 : index
      %get3A_232 = tpu.vector_load %arg12[%get3A_230, %get3A_231] {strides = array<i32>} : memref<128x128xf32, #tpu.memory_space<vmem>>, vector<16xf32>,
      %add3A_233 = arith.addf %add3A_223, %get3A_232 : vector<16xf32>
      %get3A_234 = arith.constant 32 : index
      %get3A_235 = tpu.vector_load %arg14[%get3A_234] {strides = array<i32>} : memref<128xi32, #tpu.memory_space<vmem>>, vector<16xi32>,
      %shift_right_logical3A_236 = arith.constant 7 : i32
      %shift_right_logical3A_237 = vector.broadcast %shift_right_logical3A_236 : i32 to vector<16xi32>
      %shift_right_logical3A_238 = arith.shrui %get3A_235, %shift_right_logical3A_237 : vector<16xi32>
      %exp3A_239 = math.exp %get3A_232 : vector<16xf32>
      tpu.vector_store_idx %arg16[%shift_right_logical3A_238, %shift_right_logical3A_238], %exp3A_239 : memref<128x128xf32, #tpu.memory_space<vmem>>[vector<16xi32>, vector<16xi32>], vector<16xf32>,
      %get3A_240 = arith.index_cast %add3A_206 : i32 to index
      %get3A_241 = arith.constant 48 : index
      %get3A_242 = tpu.vector_load %arg12[%get3A_240, %get3A_241] {strides = array<i32>} : memref<128x128xf32, #tpu.memory_space<vmem>>, vector<16xf32>,
      %add3A_243 = arith.addf %add3A_233, %get3A_242 : vector<16xf32>
      %get3A_244 = arith.constant 48 : index
      %get3A_245 = tpu.vector_load %arg14[%get3A_244] {strides = array<i32>} : memref<128xi32, #tpu.memory_space<vmem>>, vector<16xi32>,
      %shift_right_logical3A_246 = arith.constant 7 : i32
      %shift_right_logical3A_247 = vector.broadcast %shift_right_logical3A_246 : i32 to vector<16xi32>
      %shift_right_logical3A_248 = arith.shrui %get3A_245, %shift_right_logical3A_247 : vector<16xi32>
      %exp3A_249 = math.exp %get3A_242 : vector<16xf32>
      tpu.vector_store_idx %arg16[%shift_right_logical3A_248, %shift_right_logical3A_248], %exp3A_249 : memref<128x128xf32, #tpu.memory_space<vmem>>[vector<16xi32>, vector<16xi32>], vector<16xf32>,
      %get3A_250 = arith.index_cast %add3A_206 : i32 to index
      %get3A_251 = arith.constant 64 : index
      %get3A_252 = tpu.vector_load %arg12[%get3A_250, %get3A_251] {strides = array<i32>} : memref<128x128xf32, #tpu.memory_space<vmem>>, vector<16xf32>,
      %add3A_253 = arith.addf %add3A_243, %get3A_252 : vector<16xf32>
      %get3A_254 = arith.constant 64 : index
      %get3A_255 = tpu.vector_load %arg14[%get3A_254] {strides = array<i32>} : memref<128xi32, #tpu.memory_space<vmem>>, vector<16xi32>,
      %shift_right_logical3A_256 = arith.constant 7 : i32
      %shift_right_logical3A_257 = vector.broadcast %shift_right_logical3A_256 : i32 to vector<16xi32>
      %shift_right_logical3A_258 = arith.shrui %get3A_255, %shift_right_logical3A_257 : vector<16xi32>
      %exp3A_259 = math.exp %get3A_252 : vector<16xf32>
      tpu.vector_store_idx %arg16[%shift_right_logical3A_258, %shift_right_logical3A_258], %exp3A_259 : memref<128x128xf32, #tpu.memory_space<vmem>>[vector<16xi32>, vector<16xi32>], vector<16xf32>,
      %get3A_260 = arith.index_cast %add3A_206 : i32 to index
      %get3A_261 = arith.constant 80 : index
      %get3A_262 = tpu.vector_load %arg12[%get3A_260, %get3A_261] {strides = array<i32>} : memref<128x128xf32, #tpu.memory_space<vmem>>, vector<16xf32>,
      %add3A_263 = arith.addf %add3A_253, %get3A_262 : vector<16xf32>
      %get3A_264 = arith.constant 80 : index
      %get3A_265 = tpu.vector_load %arg14[%get3A_264] {strides = array<i32>} : memref<128xi32, #tpu.memory_space<vmem>>, vector<16xi32>,
      %shift_right_logical3A_266 = arith.constant 7 : i32
      %shift_right_logical3A_267 = vector.broadcast %shift_right_logical3A_266 : i32 to vector<16xi32>
      %shift_right_logical3A_268 = arith.shrui %get3A_265, %shift_right_logical3A_267 : vector<16xi32>
      %exp3A_269 = math.exp %get3A_262 : vector<16xf32>
      tpu.vector_store_idx %arg16[%shift_right_logical3A_268, %shift_right_logical3A_268], %exp3A_269 : memref<128x128xf32, #tpu.memory_space<vmem>>[vector<16xi32>, vector<16xi32>], vector<16xf32>,
      %get3A_270 = arith.index_cast %add3A_206 : i32 to index
      %get3A_271 = arith.constant 96 : index
      %get3A_272 = tpu.vector_load %arg12[%get3A_270, %get3A_271] {strides = array<i32>} : memref<128x128xf32, #tpu.memory_space<vmem>>, vector<16xf32>,
      %add3A_273 = arith.addf %add3A_263, %get3A_272 : vector<16xf32>
      %get3A_274 = arith.constant 96 : index
      %get3A_275 = tpu.vector_load %arg14[%get3A_274] {strides = array<i32>} : memref<128xi32, #tpu.memory_space<vmem>>, vector<16xi32>,
      %shift_right_logical3A_276 = arith.constant 7 : i32
      %shift_right_logical3A_277 = vector.broadcast %shift_right_logical3A_276 : i32 to vector<16xi32>
      %shift_right_logical3A_278 = arith.shrui %get3A_275, %shift_right_logical3A_277 : vector<16xi32>
      %exp3A_279 = math.exp %get3A_272 : vector<16xf32>
      tpu.vector_store_idx %arg16[%shift_right_logical3A_278, %shift_right_logical3A_278], %exp3A_279 : memref<128x128xf32, #tpu.memory_space<vmem>>[vector<16xi32>, vector<16xi32>], vector<16xf32>,
      %get3A_280 = arith.index_cast %add3A_206 : i32 to index
      %get3A_281 = arith.constant 112 : index
      %get3A_282 = tpu.vector_load %arg12[%get3A_280, %get3A_281] {strides = array<i32>} : memref<128x128xf32, #tpu.memory_space<vmem>>, vector<16xf32>,
      %add3A_283 = arith.addf %add3A_273, %get3A_282 : vector<16xf32>
      %get3A_284 = arith.constant 112 : index
      %get3A_285 = tpu.vector_load %arg14[%get3A_284] {strides = array<i32>} : memref<128xi32, #tpu.memory_space<vmem>>, vector<16xi32>,
      %shift_right_logical3A_286 = arith.constant 7 : i32
      %shift_right_logical3A_287 = vector.broadcast %shift_right_logical3A_286 : i32 to vector<16xi32>
      %shift_right_logical3A_288 = arith.shrui %get3A_285, %shift_right_logical3A_287 : vector<16xi32>
      %exp3A_289 = math.exp %get3A_282 : vector<16xf32>
      tpu.vector_store_idx %arg16[%shift_right_logical3A_288, %shift_right_logical3A_288], %exp3A_289 : memref<128x128xf32, #tpu.memory_space<vmem>>[vector<16xi32>, vector<16xi32>], vector<16xf32>,
      %lt3A_290 = arith.constant 31 : i32
      %lt3A_291 = arith.cmpi slt, %scan3A_80, %lt3A_290 : i32
      %convert_element_type3A_292 = arith.extui %lt3A_291 : i1 to i32
      %cond3A_293 = arith.constant 0 : i32
      %cond3A_294 = arith.cmpi ne, %convert_element_type3A_292, %cond3A_293 : i32
      scf.if %cond3A_294 {
        %add3A_529 = arith.constant 4 : i32
        %add3A_530 = arith.addi %add3A_191, %add3A_529 : i32
        %dma_start3A_531 = arith.constant 0 : i32
        %dma_start3A_532 = tpu.memref_slice %arg3[%add3A_530, %dma_start3A_531] : memref<4096x8128xf32, #tpu.memory_space<hbm>> -> memref<1x8128xf32, #tpu.memory_space<hbm>>
        %dma_start3A_533 = tpu.memref_squeeze %dma_start3A_532 : memref<1x8128xf32, #tpu.memory_space<hbm>> -> memref<8128xf32, #tpu.memory_space<hbm>>
        %dma_start3A_534 = arith.constant 0 : i32
        %dma_start3A_535 = tpu.memref_slice %arg3[%add3A_530, %dma_start3A_534] : memref<4096x8128xf32, #tpu.memory_space<hbm>> -> memref<1x8128xf32, #tpu.memory_space<hbm>>
        %dma_start3A_536 = tpu.memref_squeeze %dma_start3A_535 : memref<1x8128xf32, #tpu.memory_space<hbm>> -> memref<8128xf32, #tpu.memory_space<hbm>>
        tpu.enqueue_dma source(%dma_start3A_536 : memref<8128xf32, #tpu.memory_space<hbm>>) target(%arg9 : memref<8128xf32, #tpu.memory_space<vmem>>) target_semaphore(%arg20 : memref<!tpu.dma_semaphore, #tpu.memory_space<semaphore_mem>>)
      } else {
      }
      %dma_start3A_295 = arith.constant 0 : i32
      %dma_start3A_296 = arith.constant 0 : i32
      %dma_start3A_297 = tpu.memref_slice %arg6[%add3A_191, %dma_start3A_295, %dma_start3A_296] : memref<4096x128x128xf32, #tpu.memory_space<hbm>> -> memref<1x128x128xf32, #tpu.memory_space<hbm>>
      %dma_start3A_298 = tpu.memref_squeeze %dma_start3A_297 : memref<1x128x128xf32, #tpu.memory_space<hbm>> -> memref<128x128xf32, #tpu.memory_space<hbm>>
      %dma_start3A_299 = arith.constant 0 : i32
      %dma_start3A_300 = arith.constant 0 : i32
      %dma_start3A_301 = tpu.memref_slice %arg6[%add3A_191, %dma_start3A_299, %dma_start3A_300] : memref<4096x128x128xf32, #tpu.memory_space<hbm>> -> memref<1x128x128xf32, #tpu.memory_space<hbm>>
      %dma_start3A_302 = tpu.memref_squeeze %dma_start3A_301 : memref<1x128x128xf32, #tpu.memory_space<hbm>> -> memref<128x128xf32, #tpu.memory_space<hbm>>
      tpu.enqueue_dma source(%arg16 : memref<128x128xf32, #tpu.memory_space<vmem>>) target(%dma_start3A_302 : memref<128x128xf32, #tpu.memory_space<hbm>>) target_semaphore(%arg21 : memref<!tpu.dma_semaphore, #tpu.memory_space<semaphore_mem>>)
      %add3A_303 = arith.constant 2 : i32
      %add3A_304 = arith.addi %add3A_84, %add3A_303 : i32
      %gt3A_305 = arith.constant 0 : i32
      %gt3A_306 = arith.cmpi sgt, %scan3A_80, %gt3A_305 : i32
      %convert_element_type3A_307 = arith.extui %gt3A_306 : i1 to i32
      %cond3A_308 = arith.constant 0 : i32
      %cond3A_309 = arith.cmpi ne, %convert_element_type3A_307, %cond3A_308 : i32
      scf.if %cond3A_309 {
        %dma_wait3A_529 = arith.constant 0 : i32
        %dma_wait3A_530 = arith.constant 0 : i32
        %dma_wait3A_531 = tpu.memref_slice %arg6[%add3A_304, %dma_wait3A_529, %dma_wait3A_530] : memref<4096x128x128xf32, #tpu.memory_space<hbm>> -> memref<1x128x128xf32, #tpu.memory_space<hbm>>
        %dma_wait3A_532 = tpu.memref_squeeze %dma_wait3A_531 : memref<1x128x128xf32, #tpu.memory_space<hbm>> -> memref<128x128xf32, #tpu.memory_space<hbm>>
        %dma_wait3A_533 = arith.constant 0 : i32
        %dma_wait3A_534 = arith.constant 0 : i32
        %dma_wait3A_535 = tpu.memref_slice %arg6[%add3A_304, %dma_wait3A_533, %dma_wait3A_534] : memref<4096x128x128xf32, #tpu.memory_space<hbm>> -> memref<1x128x128xf32, #tpu.memory_space<hbm>>
        %dma_wait3A_536 = tpu.memref_squeeze %dma_wait3A_535 : memref<1x128x128xf32, #tpu.memory_space<hbm>> -> memref<128x128xf32, #tpu.memory_space<hbm>>
        tpu.wait_dma2 semaphore(%arg21 : memref<!tpu.dma_semaphore, #tpu.memory_space<semaphore_mem>>) src(%arg17 : memref<128x128xf32, #tpu.memory_space<vmem>>) dst(%dma_wait3A_536 : memref<128x128xf32, #tpu.memory_space<hbm>>)
      } else {
      }
      %dma_wait3A_310 = arith.constant 0 : i32
      %dma_wait3A_311 = tpu.memref_slice %arg3[%add3A_304, %dma_wait3A_310] : memref<4096x8128xf32, #tpu.memory_space<hbm>> -> memref<1x8128xf32, #tpu.memory_space<hbm>>
      %dma_wait3A_312 = tpu.memref_squeeze %dma_wait3A_311 : memref<1x8128xf32, #tpu.memory_space<hbm>> -> memref<8128xf32, #tpu.memory_space<hbm>>
      %dma_wait3A_313 = arith.constant 0 : i32
      %dma_wait3A_314 = tpu.memref_slice %arg3[%add3A_304, %dma_wait3A_313] : memref<4096x8128xf32, #tpu.memory_space<hbm>> -> memref<1x8128xf32, #tpu.memory_space<hbm>>
      %dma_wait3A_315 = tpu.memref_squeeze %dma_wait3A_314 : memref<1x8128xf32, #tpu.memory_space<hbm>> -> memref<8128xf32, #tpu.memory_space<hbm>>
      tpu.wait_dma2 semaphore(%arg20 : memref<!tpu.dma_semaphore, #tpu.memory_space<semaphore_mem>>) src(%dma_wait3A_315 : memref<8128xf32, #tpu.memory_space<hbm>>) dst(%arg10 : memref<8128xf32, #tpu.memory_space<vmem>>)
      %mul3A_316 = arith.constant 4 : i32
      %mul3A_317 = arith.muli %scan3A_80, %mul3A_316 : i32
      %add3A_318 = arith.constant 2 : i32
      %add3A_319 = arith.addi %mul3A_317, %add3A_318 : i32
      %parallel_loop3A_320 = arith.constant 0 : i32
      %parallel_loop3A_321 = arith.constant 508 : i32
      %parallel_loop3A_322 = arith.constant 1 : i32
      scf.for %parallel_loop3A_529 = %parallel_loop3A_320 to %parallel_loop3A_321 step %parallel_loop3A_322  : i32 {
        %parallel_loop3A_530 = arith.constant 16 : i32
        %parallel_loop3A_531 = arith.muli %parallel_loop3A_529, %parallel_loop3A_530 : i32
        %parallel_loop3A_532 = arith.index_cast %parallel_loop3A_531 : i32 to index
        %parallel_loop3A_533 = tpu.vector_load %arg10[%parallel_loop3A_532] {strides = array<i32>} : memref<8128xf32, #tpu.memory_space<vmem>>, vector<16xf32>,
        %parallel_loop3A_534 = arith.constant 16 : i32
        %parallel_loop3A_535 = arith.muli %parallel_loop3A_529, %parallel_loop3A_534 : i32
        %parallel_loop3A_536 = arith.index_cast %parallel_loop3A_535 : i32 to index
        %parallel_loop3A_537 = tpu.vector_load %arg13[%parallel_loop3A_536] {strides = array<i32>} : memref<8128xi32, #tpu.memory_space<vmem>>, vector<16xi32>,
        %parallel_loop3A_538 = arith.constant 7 : i32
        %parallel_loop3A_539 = vector.broadcast %parallel_loop3A_538 : i32 to vector<16xi32>
        %parallel_loop3A_540 = arith.shrui %parallel_loop3A_537, %parallel_loop3A_539 : vector<16xi32>
        %parallel_loop3A_541 = arith.constant 127 : i32
        %parallel_loop3A_542 = vector.broadcast %parallel_loop3A_541 : i32 to vector<16xi32>
        %parallel_loop3A_543 = arith.andi %parallel_loop3A_537, %parallel_loop3A_542 : vector<16xi32>
        tpu.vector_store_idx %arg17[%parallel_loop3A_540, %parallel_loop3A_543], %parallel_loop3A_533 : memref<128x128xf32, #tpu.memory_space<vmem>>[vector<16xi32>, vector<16xi32>], vector<16xf32>,
      } {sc.loop_unroll_factor = 16 : i64, sc.parallel_access}
      %get3A_323 = arith.index_cast %add3A_319 : i32 to index
      %get3A_324 = arith.constant 0 : index
      %get3A_325 = tpu.vector_load %arg12[%get3A_323, %get3A_324] {strides = array<i32>} : memref<128x128xf32, #tpu.memory_space<vmem>>, vector<16xf32>,
      %add3A_326 = arith.addf %add3A_283, %get3A_325 : vector<16xf32>
      %get3A_327 = arith.constant 0 : index
      %get3A_328 = tpu.vector_load %arg14[%get3A_327] {strides = array<i32>} : memref<128xi32, #tpu.memory_space<vmem>>, vector<16xi32>,
      %shift_right_logical3A_329 = arith.constant 7 : i32
      %shift_right_logical3A_330 = vector.broadcast %shift_right_logical3A_329 : i32 to vector<16xi32>
      %shift_right_logical3A_331 = arith.shrui %get3A_328, %shift_right_logical3A_330 : vector<16xi32>
      %exp3A_332 = math.exp %get3A_325 : vector<16xf32>
      tpu.vector_store_idx %arg17[%shift_right_logical3A_331, %shift_right_logical3A_331], %exp3A_332 : memref<128x128xf32, #tpu.memory_space<vmem>>[vector<16xi32>, vector<16xi32>], vector<16xf32>,
      %get3A_333 = arith.index_cast %add3A_319 : i32 to index
      %get3A_334 = arith.constant 16 : index
      %get3A_335 = tpu.vector_load %arg12[%get3A_333, %get3A_334] {strides = array<i32>} : memref<128x128xf32, #tpu.memory_space<vmem>>, vector<16xf32>,
      %add3A_336 = arith.addf %add3A_326, %get3A_335 : vector<16xf32>
      %get3A_337 = arith.constant 16 : index
      %get3A_338 = tpu.vector_load %arg14[%get3A_337] {strides = array<i32>} : memref<128xi32, #tpu.memory_space<vmem>>, vector<16xi32>,
      %shift_right_logical3A_339 = arith.constant 7 : i32
      %shift_right_logical3A_340 = vector.broadcast %shift_right_logical3A_339 : i32 to vector<16xi32>
      %shift_right_logical3A_341 = arith.shrui %get3A_338, %shift_right_logical3A_340 : vector<16xi32>
      %exp3A_342 = math.exp %get3A_335 : vector<16xf32>
      tpu.vector_store_idx %arg17[%shift_right_logical3A_341, %shift_right_logical3A_341], %exp3A_342 : memref<128x128xf32, #tpu.memory_space<vmem>>[vector<16xi32>, vector<16xi32>], vector<16xf32>,
      %get3A_343 = arith.index_cast %add3A_319 : i32 to index
      %get3A_344 = arith.constant 32 : index
      %get3A_345 = tpu.vector_load %arg12[%get3A_343, %get3A_344] {strides = array<i32>} : memref<128x128xf32, #tpu.memory_space<vmem>>, vector<16xf32>,
      %add3A_346 = arith.addf %add3A_336, %get3A_345 : vector<16xf32>
      %get3A_347 = arith.constant 32 : index
      %get3A_348 = tpu.vector_load %arg14[%get3A_347] {strides = array<i32>} : memref<128xi32, #tpu.memory_space<vmem>>, vector<16xi32>,
      %shift_right_logical3A_349 = arith.constant 7 : i32
      %shift_right_logical3A_350 = vector.broadcast %shift_right_logical3A_349 : i32 to vector<16xi32>
      %shift_right_logical3A_351 = arith.shrui %get3A_348, %shift_right_logical3A_350 : vector<16xi32>
      %exp3A_352 = math.exp %get3A_345 : vector<16xf32>
      tpu.vector_store_idx %arg17[%shift_right_logical3A_351, %shift_right_logical3A_351], %exp3A_352 : memref<128x128xf32, #tpu.memory_space<vmem>>[vector<16xi32>, vector<16xi32>], vector<16xf32>,
      %get3A_353 = arith.index_cast %add3A_319 : i32 to index
      %get3A_354 = arith.constant 48 : index
      %get3A_355 = tpu.vector_load %arg12[%get3A_353, %get3A_354] {strides = array<i32>} : memref<128x128xf32, #tpu.memory_space<vmem>>, vector<16xf32>,
      %add3A_356 = arith.addf %add3A_346, %get3A_355 : vector<16xf32>
      %get3A_357 = arith.constant 48 : index
      %get3A_358 = tpu.vector_load %arg14[%get3A_357] {strides = array<i32>} : memref<128xi32, #tpu.memory_space<vmem>>, vector<16xi32>,
      %shift_right_logical3A_359 = arith.constant 7 : i32
      %shift_right_logical3A_360 = vector.broadcast %shift_right_logical3A_359 : i32 to vector<16xi32>
      %shift_right_logical3A_361 = arith.shrui %get3A_358, %shift_right_logical3A_360 : vector<16xi32>
      %exp3A_362 = math.exp %get3A_355 : vector<16xf32>
      tpu.vector_store_idx %arg17[%shift_right_logical3A_361, %shift_right_logical3A_361], %exp3A_362 : memref<128x128xf32, #tpu.memory_space<vmem>>[vector<16xi32>, vector<16xi32>], vector<16xf32>,
      %get3A_363 = arith.index_cast %add3A_319 : i32 to index
      %get3A_364 = arith.constant 64 : index
      %get3A_365 = tpu.vector_load %arg12[%get3A_363, %get3A_364] {strides = array<i32>} : memref<128x128xf32, #tpu.memory_space<vmem>>, vector<16xf32>,
      %add3A_366 = arith.addf %add3A_356, %get3A_365 : vector<16xf32>
      %get3A_367 = arith.constant 64 : index
      %get3A_368 = tpu.vector_load %arg14[%get3A_367] {strides = array<i32>} : memref<128xi32, #tpu.memory_space<vmem>>, vector<16xi32>,
      %shift_right_logical3A_369 = arith.constant 7 : i32
      %shift_right_logical3A_370 = vector.broadcast %shift_right_logical3A_369 : i32 to vector<16xi32>
      %shift_right_logical3A_371 = arith.shrui %get3A_368, %shift_right_logical3A_370 : vector<16xi32>
      %exp3A_372 = math.exp %get3A_365 : vector<16xf32>
      tpu.vector_store_idx %arg17[%shift_right_logical3A_371, %shift_right_logical3A_371], %exp3A_372 : memref<128x128xf32, #tpu.memory_space<vmem>>[vector<16xi32>, vector<16xi32>], vector<16xf32>,
      %get3A_373 = arith.index_cast %add3A_319 : i32 to index
      %get3A_374 = arith.constant 80 : index
      %get3A_375 = tpu.vector_load %arg12[%get3A_373, %get3A_374] {strides = array<i32>} : memref<128x128xf32, #tpu.memory_space<vmem>>, vector<16xf32>,
      %add3A_376 = arith.addf %add3A_366, %get3A_375 : vector<16xf32>
      %get3A_377 = arith.constant 80 : index
      %get3A_378 = tpu.vector_load %arg14[%get3A_377] {strides = array<i32>} : memref<128xi32, #tpu.memory_space<vmem>>, vector<16xi32>,
      %shift_right_logical3A_379 = arith.constant 7 : i32
      %shift_right_logical3A_380 = vector.broadcast %shift_right_logical3A_379 : i32 to vector<16xi32>
      %shift_right_logical3A_381 = arith.shrui %get3A_378, %shift_right_logical3A_380 : vector<16xi32>
      %exp3A_382 = math.exp %get3A_375 : vector<16xf32>
      tpu.vector_store_idx %arg17[%shift_right_logical3A_381, %shift_right_logical3A_381], %exp3A_382 : memref<128x128xf32, #tpu.memory_space<vmem>>[vector<16xi32>, vector<16xi32>], vector<16xf32>,
      %get3A_383 = arith.index_cast %add3A_319 : i32 to index
      %get3A_384 = arith.constant 96 : index
      %get3A_385 = tpu.vector_load %arg12[%get3A_383, %get3A_384] {strides = array<i32>} : memref<128x128xf32, #tpu.memory_space<vmem>>, vector<16xf32>,
      %add3A_386 = arith.addf %add3A_376, %get3A_385 : vector<16xf32>
      %get3A_387 = arith.constant 96 : index
      %get3A_388 = tpu.vector_load %arg14[%get3A_387] {strides = array<i32>} : memref<128xi32, #tpu.memory_space<vmem>>, vector<16xi32>,
      %shift_right_logical3A_389 = arith.constant 7 : i32
      %shift_right_logical3A_390 = vector.broadcast %shift_right_logical3A_389 : i32 to vector<16xi32>
      %shift_right_logical3A_391 = arith.shrui %get3A_388, %shift_right_logical3A_390 : vector<16xi32>
      %exp3A_392 = math.exp %get3A_385 : vector<16xf32>
      tpu.vector_store_idx %arg17[%shift_right_logical3A_391, %shift_right_logical3A_391], %exp3A_392 : memref<128x128xf32, #tpu.memory_space<vmem>>[vector<16xi32>, vector<16xi32>], vector<16xf32>,
      %get3A_393 = arith.index_cast %add3A_319 : i32 to index
      %get3A_394 = arith.constant 112 : index
      %get3A_395 = tpu.vector_load %arg12[%get3A_393, %get3A_394] {strides = array<i32>} : memref<128x128xf32, #tpu.memory_space<vmem>>, vector<16xf32>,
      %add3A_396 = arith.addf %add3A_386, %get3A_395 : vector<16xf32>
      %get3A_397 = arith.constant 112 : index
      %get3A_398 = tpu.vector_load %arg14[%get3A_397] {strides = array<i32>} : memref<128xi32, #tpu.memory_space<vmem>>, vector<16xi32>,
      %shift_right_logical3A_399 = arith.constant 7 : i32
      %shift_right_logical3A_400 = vector.broadcast %shift_right_logical3A_399 : i32 to vector<16xi32>
      %shift_right_logical3A_401 = arith.shrui %get3A_398, %shift_right_logical3A_400 : vector<16xi32>
      %exp3A_402 = math.exp %get3A_395 : vector<16xf32>
      tpu.vector_store_idx %arg17[%shift_right_logical3A_401, %shift_right_logical3A_401], %exp3A_402 : memref<128x128xf32, #tpu.memory_space<vmem>>[vector<16xi32>, vector<16xi32>], vector<16xf32>,
      %lt3A_403 = arith.constant 31 : i32
      %lt3A_404 = arith.cmpi slt, %scan3A_80, %lt3A_403 : i32
      %convert_element_type3A_405 = arith.extui %lt3A_404 : i1 to i32
      %cond3A_406 = arith.constant 0 : i32
      %cond3A_407 = arith.cmpi ne, %convert_element_type3A_405, %cond3A_406 : i32
      scf.if %cond3A_407 {
        %add3A_529 = arith.constant 4 : i32
        %add3A_530 = arith.addi %add3A_304, %add3A_529 : i32
        %dma_start3A_531 = arith.constant 0 : i32
        %dma_start3A_532 = tpu.memref_slice %arg3[%add3A_530, %dma_start3A_531] : memref<4096x8128xf32, #tpu.memory_space<hbm>> -> memref<1x8128xf32, #tpu.memory_space<hbm>>
        %dma_start3A_533 = tpu.memref_squeeze %dma_start3A_532 : memref<1x8128xf32, #tpu.memory_space<hbm>> -> memref<8128xf32, #tpu.memory_space<hbm>>
        %dma_start3A_534 = arith.constant 0 : i32
        %dma_start3A_535 = tpu.memref_slice %arg3[%add3A_530, %dma_start3A_534] : memref<4096x8128xf32, #tpu.memory_space<hbm>> -> memref<1x8128xf32, #tpu.memory_space<hbm>>
        %dma_start3A_536 = tpu.memref_squeeze %dma_start3A_535 : memref<1x8128xf32, #tpu.memory_space<hbm>> -> memref<8128xf32, #tpu.memory_space<hbm>>
        tpu.enqueue_dma source(%dma_start3A_536 : memref<8128xf32, #tpu.memory_space<hbm>>) target(%arg10 : memref<8128xf32, #tpu.memory_space<vmem>>) target_semaphore(%arg20 : memref<!tpu.dma_semaphore, #tpu.memory_space<semaphore_mem>>)
      } else {
      }
      %dma_start3A_408 = arith.constant 0 : i32
      %dma_start3A_409 = arith.constant 0 : i32
      %dma_start3A_410 = tpu.memref_slice %arg6[%add3A_304, %dma_start3A_408, %dma_start3A_409] : memref<4096x128x128xf32, #tpu.memory_space<hbm>> -> memref<1x128x128xf32, #tpu.memory_space<hbm>>
      %dma_start3A_411 = tpu.memref_squeeze %dma_start3A_410 : memref<1x128x128xf32, #tpu.memory_space<hbm>> -> memref<128x128xf32, #tpu.memory_space<hbm>>
      %dma_start3A_412 = arith.constant 0 : i32
      %dma_start3A_413 = arith.constant 0 : i32
      %dma_start3A_414 = tpu.memref_slice %arg6[%add3A_304, %dma_start3A_412, %dma_start3A_413] : memref<4096x128x128xf32, #tpu.memory_space<hbm>> -> memref<1x128x128xf32, #tpu.memory_space<hbm>>
      %dma_start3A_415 = tpu.memref_squeeze %dma_start3A_414 : memref<1x128x128xf32, #tpu.memory_space<hbm>> -> memref<128x128xf32, #tpu.memory_space<hbm>>
      tpu.enqueue_dma source(%arg17 : memref<128x128xf32, #tpu.memory_space<vmem>>) target(%dma_start3A_415 : memref<128x128xf32, #tpu.memory_space<hbm>>) target_semaphore(%arg21 : memref<!tpu.dma_semaphore, #tpu.memory_space<semaphore_mem>>)
      %add3A_416 = arith.constant 3 : i32
      %add3A_417 = arith.addi %add3A_84, %add3A_416 : i32
      %gt3A_418 = arith.constant 0 : i32
      %gt3A_419 = arith.cmpi sgt, %scan3A_80, %gt3A_418 : i32
      %convert_element_type3A_420 = arith.extui %gt3A_419 : i1 to i32
      %cond3A_421 = arith.constant 0 : i32
      %cond3A_422 = arith.cmpi ne, %convert_element_type3A_420, %cond3A_421 : i32
      scf.if %cond3A_422 {
        %dma_wait3A_529 = arith.constant 0 : i32
        %dma_wait3A_530 = arith.constant 0 : i32
        %dma_wait3A_531 = tpu.memref_slice %arg6[%add3A_417, %dma_wait3A_529, %dma_wait3A_530] : memref<4096x128x128xf32, #tpu.memory_space<hbm>> -> memref<1x128x128xf32, #tpu.memory_space<hbm>>
        %dma_wait3A_532 = tpu.memref_squeeze %dma_wait3A_531 : memref<1x128x128xf32, #tpu.memory_space<hbm>> -> memref<128x128xf32, #tpu.memory_space<hbm>>
        %dma_wait3A_533 = arith.constant 0 : i32
        %dma_wait3A_534 = arith.constant 0 : i32
        %dma_wait3A_535 = tpu.memref_slice %arg6[%add3A_417, %dma_wait3A_533, %dma_wait3A_534] : memref<4096x128x128xf32, #tpu.memory_space<hbm>> -> memref<1x128x128xf32, #tpu.memory_space<hbm>>
        %dma_wait3A_536 = tpu.memref_squeeze %dma_wait3A_535 : memref<1x128x128xf32, #tpu.memory_space<hbm>> -> memref<128x128xf32, #tpu.memory_space<hbm>>
        tpu.wait_dma2 semaphore(%arg21 : memref<!tpu.dma_semaphore, #tpu.memory_space<semaphore_mem>>) src(%arg18 : memref<128x128xf32, #tpu.memory_space<vmem>>) dst(%dma_wait3A_536 : memref<128x128xf32, #tpu.memory_space<hbm>>)
      } else {
      }
      %dma_wait3A_423 = arith.constant 0 : i32
      %dma_wait3A_424 = tpu.memref_slice %arg3[%add3A_417, %dma_wait3A_423] : memref<4096x8128xf32, #tpu.memory_space<hbm>> -> memref<1x8128xf32, #tpu.memory_space<hbm>>
      %dma_wait3A_425 = tpu.memref_squeeze %dma_wait3A_424 : memref<1x8128xf32, #tpu.memory_space<hbm>> -> memref<8128xf32, #tpu.memory_space<hbm>>
      %dma_wait3A_426 = arith.constant 0 : i32
      %dma_wait3A_427 = tpu.memref_slice %arg3[%add3A_417, %dma_wait3A_426] : memref<4096x8128xf32, #tpu.memory_space<hbm>> -> memref<1x8128xf32, #tpu.memory_space<hbm>>
      %dma_wait3A_428 = tpu.memref_squeeze %dma_wait3A_427 : memref<1x8128xf32, #tpu.memory_space<hbm>> -> memref<8128xf32, #tpu.memory_space<hbm>>
      tpu.wait_dma2 semaphore(%arg20 : memref<!tpu.dma_semaphore, #tpu.memory_space<semaphore_mem>>) src(%dma_wait3A_428 : memref<8128xf32, #tpu.memory_space<hbm>>) dst(%arg11 : memref<8128xf32, #tpu.memory_space<vmem>>)
      %mul3A_429 = arith.constant 4 : i32
      %mul3A_430 = arith.muli %scan3A_80, %mul3A_429 : i32
      %add3A_431 = arith.constant 3 : i32
      %add3A_432 = arith.addi %mul3A_430, %add3A_431 : i32
      %parallel_loop3A_433 = arith.constant 0 : i32
      %parallel_loop3A_434 = arith.constant 508 : i32
      %parallel_loop3A_435 = arith.constant 1 : i32
      scf.for %parallel_loop3A_529 = %parallel_loop3A_433 to %parallel_loop3A_434 step %parallel_loop3A_435  : i32 {
        %parallel_loop3A_530 = arith.constant 16 : i32
        %parallel_loop3A_531 = arith.muli %parallel_loop3A_529, %parallel_loop3A_530 : i32
        %parallel_loop3A_532 = arith.index_cast %parallel_loop3A_531 : i32 to index
        %parallel_loop3A_533 = tpu.vector_load %arg11[%parallel_loop3A_532] {strides = array<i32>} : memref<8128xf32, #tpu.memory_space<vmem>>, vector<16xf32>,
        %parallel_loop3A_534 = arith.constant 16 : i32
        %parallel_loop3A_535 = arith.muli %parallel_loop3A_529, %parallel_loop3A_534 : i32
        %parallel_loop3A_536 = arith.index_cast %parallel_loop3A_535 : i32 to index
        %parallel_loop3A_537 = tpu.vector_load %arg13[%parallel_loop3A_536] {strides = array<i32>} : memref<8128xi32, #tpu.memory_space<vmem>>, vector<16xi32>,
        %parallel_loop3A_538 = arith.constant 7 : i32
        %parallel_loop3A_539 = vector.broadcast %parallel_loop3A_538 : i32 to vector<16xi32>
        %parallel_loop3A_540 = arith.shrui %parallel_loop3A_537, %parallel_loop3A_539 : vector<16xi32>
        %parallel_loop3A_541 = arith.constant 127 : i32
        %parallel_loop3A_542 = vector.broadcast %parallel_loop3A_541 : i32 to vector<16xi32>
        %parallel_loop3A_543 = arith.andi %parallel_loop3A_537, %parallel_loop3A_542 : vector<16xi32>
        tpu.vector_store_idx %arg18[%parallel_loop3A_540, %parallel_loop3A_543], %parallel_loop3A_533 : memref<128x128xf32, #tpu.memory_space<vmem>>[vector<16xi32>, vector<16xi32>], vector<16xf32>,
      } {sc.loop_unroll_factor = 16 : i64, sc.parallel_access}
      %get3A_436 = arith.index_cast %add3A_432 : i32 to index
      %get3A_437 = arith.constant 0 : index
      %get3A_438 = tpu.vector_load %arg12[%get3A_436, %get3A_437] {strides = array<i32>} : memref<128x128xf32, #tpu.memory_space<vmem>>, vector<16xf32>,
      %add3A_439 = arith.addf %add3A_396, %get3A_438 : vector<16xf32>
      %get3A_440 = arith.constant 0 : index
      %get3A_441 = tpu.vector_load %arg14[%get3A_440] {strides = array<i32>} : memref<128xi32, #tpu.memory_space<vmem>>, vector<16xi32>,
      %shift_right_logical3A_442 = arith.constant 7 : i32
      %shift_right_logical3A_443 = vector.broadcast %shift_right_logical3A_442 : i32 to vector<16xi32>
      %shift_right_logical3A_444 = arith.shrui %get3A_441, %shift_right_logical3A_443 : vector<16xi32>
      %exp3A_445 = math.exp %get3A_438 : vector<16xf32>
      tpu.vector_store_idx %arg18[%shift_right_logical3A_444, %shift_right_logical3A_444], %exp3A_445 : memref<128x128xf32, #tpu.memory_space<vmem>>[vector<16xi32>, vector<16xi32>], vector<16xf32>,
      %get3A_446 = arith.index_cast %add3A_432 : i32 to index
      %get3A_447 = arith.constant 16 : index
      %get3A_448 = tpu.vector_load %arg12[%get3A_446, %get3A_447] {strides = array<i32>} : memref<128x128xf32, #tpu.memory_space<vmem>>, vector<16xf32>,
      %add3A_449 = arith.addf %add3A_439, %get3A_448 : vector<16xf32>
      %get3A_450 = arith.constant 16 : index
      %get3A_451 = tpu.vector_load %arg14[%get3A_450] {strides = array<i32>} : memref<128xi32, #tpu.memory_space<vmem>>, vector<16xi32>,
      %shift_right_logical3A_452 = arith.constant 7 : i32
      %shift_right_logical3A_453 = vector.broadcast %shift_right_logical3A_452 : i32 to vector<16xi32>
      %shift_right_logical3A_454 = arith.shrui %get3A_451, %shift_right_logical3A_453 : vector<16xi32>
      %exp3A_455 = math.exp %get3A_448 : vector<16xf32>
      tpu.vector_store_idx %arg18[%shift_right_logical3A_454, %shift_right_logical3A_454], %exp3A_455 : memref<128x128xf32, #tpu.memory_space<vmem>>[vector<16xi32>, vector<16xi32>], vector<16xf32>,
      %get3A_456 = arith.index_cast %add3A_432 : i32 to index
      %get3A_457 = arith.constant 32 : index
      %get3A_458 = tpu.vector_load %arg12[%get3A_456, %get3A_457] {strides = array<i32>} : memref<128x128xf32, #tpu.memory_space<vmem>>, vector<16xf32>,
      %add3A_459 = arith.addf %add3A_449, %get3A_458 : vector<16xf32>
      %get3A_460 = arith.constant 32 : index
      %get3A_461 = tpu.vector_load %arg14[%get3A_460] {strides = array<i32>} : memref<128xi32, #tpu.memory_space<vmem>>, vector<16xi32>,
      %shift_right_logical3A_462 = arith.constant 7 : i32
      %shift_right_logical3A_463 = vector.broadcast %shift_right_logical3A_462 : i32 to vector<16xi32>
      %shift_right_logical3A_464 = arith.shrui %get3A_461, %shift_right_logical3A_463 : vector<16xi32>
      %exp3A_465 = math.exp %get3A_458 : vector<16xf32>
      tpu.vector_store_idx %arg18[%shift_right_logical3A_464, %shift_right_logical3A_464], %exp3A_465 : memref<128x128xf32, #tpu.memory_space<vmem>>[vector<16xi32>, vector<16xi32>], vector<16xf32>,
      %get3A_466 = arith.index_cast %add3A_432 : i32 to index
      %get3A_467 = arith.constant 48 : index
      %get3A_468 = tpu.vector_load %arg12[%get3A_466, %get3A_467] {strides = array<i32>} : memref<128x128xf32, #tpu.memory_space<vmem>>, vector<16xf32>,
      %add3A_469 = arith.addf %add3A_459, %get3A_468 : vector<16xf32>
      %get3A_470 = arith.constant 48 : index
      %get3A_471 = tpu.vector_load %arg14[%get3A_470] {strides = array<i32>} : memref<128xi32, #tpu.memory_space<vmem>>, vector<16xi32>,
      %shift_right_logical3A_472 = arith.constant 7 : i32
      %shift_right_logical3A_473 = vector.broadcast %shift_right_logical3A_472 : i32 to vector<16xi32>
      %shift_right_logical3A_474 = arith.shrui %get3A_471, %shift_right_logical3A_473 : vector<16xi32>
      %exp3A_475 = math.exp %get3A_468 : vector<16xf32>
      tpu.vector_store_idx %arg18[%shift_right_logical3A_474, %shift_right_logical3A_474], %exp3A_475 : memref<128x128xf32, #tpu.memory_space<vmem>>[vector<16xi32>, vector<16xi32>], vector<16xf32>,
      %get3A_476 = arith.index_cast %add3A_432 : i32 to index
      %get3A_477 = arith.constant 64 : index
      %get3A_478 = tpu.vector_load %arg12[%get3A_476, %get3A_477] {strides = array<i32>} : memref<128x128xf32, #tpu.memory_space<vmem>>, vector<16xf32>,
      %add3A_479 = arith.addf %add3A_469, %get3A_478 : vector<16xf32>
      %get3A_480 = arith.constant 64 : index
      %get3A_481 = tpu.vector_load %arg14[%get3A_480] {strides = array<i32>} : memref<128xi32, #tpu.memory_space<vmem>>, vector<16xi32>,
      %shift_right_logical3A_482 = arith.constant 7 : i32
      %shift_right_logical3A_483 = vector.broadcast %shift_right_logical3A_482 : i32 to vector<16xi32>
      %shift_right_logical3A_484 = arith.shrui %get3A_481, %shift_right_logical3A_483 : vector<16xi32>
      %exp3A_485 = math.exp %get3A_478 : vector<16xf32>
      tpu.vector_store_idx %arg18[%shift_right_logical3A_484, %shift_right_logical3A_484], %exp3A_485 : memref<128x128xf32, #tpu.memory_space<vmem>>[vector<16xi32>, vector<16xi32>], vector<16xf32>,
      %get3A_486 = arith.index_cast %add3A_432 : i32 to index
      %get3A_487 = arith.constant 80 : index
      %get3A_488 = tpu.vector_load %arg12[%get3A_486, %get3A_487] {strides = array<i32>} : memref<128x128xf32, #tpu.memory_space<vmem>>, vector<16xf32>,
      %add3A_489 = arith.addf %add3A_479, %get3A_488 : vector<16xf32>
      %get3A_490 = arith.constant 80 : index
      %get3A_491 = tpu.vector_load %arg14[%get3A_490] {strides = array<i32>} : memref<128xi32, #tpu.memory_space<vmem>>, vector<16xi32>,
      %shift_right_logical3A_492 = arith.constant 7 : i32
      %shift_right_logical3A_493 = vector.broadcast %shift_right_logical3A_492 : i32 to vector<16xi32>
      %shift_right_logical3A_494 = arith.shrui %get3A_491, %shift_right_logical3A_493 : vector<16xi32>
      %exp3A_495 = math.exp %get3A_488 : vector<16xf32>
      tpu.vector_store_idx %arg18[%shift_right_logical3A_494, %shift_right_logical3A_494], %exp3A_495 : memref<128x128xf32, #tpu.memory_space<vmem>>[vector<16xi32>, vector<16xi32>], vector<16xf32>,
      %get3A_496 = arith.index_cast %add3A_432 : i32 to index
      %get3A_497 = arith.constant 96 : index
      %get3A_498 = tpu.vector_load %arg12[%get3A_496, %get3A_497] {strides = array<i32>} : memref<128x128xf32, #tpu.memory_space<vmem>>, vector<16xf32>,
      %add3A_499 = arith.addf %add3A_489, %get3A_498 : vector<16xf32>
      %get3A_500 = arith.constant 96 : index
      %get3A_501 = tpu.vector_load %arg14[%get3A_500] {strides = array<i32>} : memref<128xi32, #tpu.memory_space<vmem>>, vector<16xi32>,
      %shift_right_logical3A_502 = arith.constant 7 : i32
      %shift_right_logical3A_503 = vector.broadcast %shift_right_logical3A_502 : i32 to vector<16xi32>
      %shift_right_logical3A_504 = arith.shrui %get3A_501, %shift_right_logical3A_503 : vector<16xi32>
      %exp3A_505 = math.exp %get3A_498 : vector<16xf32>
      tpu.vector_store_idx %arg18[%shift_right_logical3A_504, %shift_right_logical3A_504], %exp3A_505 : memref<128x128xf32, #tpu.memory_space<vmem>>[vector<16xi32>, vector<16xi32>], vector<16xf32>,
      %get3A_506 = arith.index_cast %add3A_432 : i32 to index
      %get3A_507 = arith.constant 112 : index
      %get3A_508 = tpu.vector_load %arg12[%get3A_506, %get3A_507] {strides = array<i32>} : memref<128x128xf32, #tpu.memory_space<vmem>>, vector<16xf32>,
      %add3A_509 = arith.addf %add3A_499, %get3A_508 : vector<16xf32>
      %get3A_510 = arith.constant 112 : index
      %get3A_511 = tpu.vector_load %arg14[%get3A_510] {strides = array<i32>} : memref<128xi32, #tpu.memory_space<vmem>>, vector<16xi32>,
      %shift_right_logical3A_512 = arith.constant 7 : i32
      %shift_right_logical3A_513 = vector.broadcast %shift_right_logical3A_512 : i32 to vector<16xi32>
      %shift_right_logical3A_514 = arith.shrui %get3A_511, %shift_right_logical3A_513 : vector<16xi32>
      %exp3A_515 = math.exp %get3A_508 : vector<16xf32>
      tpu.vector_store_idx %arg18[%shift_right_logical3A_514, %shift_right_logical3A_514], %exp3A_515 : memref<128x128xf32, #tpu.memory_space<vmem>>[vector<16xi32>, vector<16xi32>], vector<16xf32>,
      %lt3A_516 = arith.constant 31 : i32
      %lt3A_517 = arith.cmpi slt, %scan3A_80, %lt3A_516 : i32
      %convert_element_type3A_518 = arith.extui %lt3A_517 : i1 to i32
      %cond3A_519 = arith.constant 0 : i32
      %cond3A_520 = arith.cmpi ne, %convert_element_type3A_518, %cond3A_519 : i32
      scf.if %cond3A_520 {
        %add3A_529 = arith.constant 4 : i32
        %add3A_530 = arith.addi %add3A_417, %add3A_529 : i32
        %dma_start3A_531 = arith.constant 0 : i32
        %dma_start3A_532 = tpu.memref_slice %arg3[%add3A_530, %dma_start3A_531] : memref<4096x8128xf32, #tpu.memory_space<hbm>> -> memref<1x8128xf32, #tpu.memory_space<hbm>>
        %dma_start3A_533 = tpu.memref_squeeze %dma_start3A_532 : memref<1x8128xf32, #tpu.memory_space<hbm>> -> memref<8128xf32, #tpu.memory_space<hbm>>
        %dma_start3A_534 = arith.constant 0 : i32
        %dma_start3A_535 = tpu.memref_slice %arg3[%add3A_530, %dma_start3A_534] : memref<4096x8128xf32, #tpu.memory_space<hbm>> -> memref<1x8128xf32, #tpu.memory_space<hbm>>
        %dma_start3A_536 = tpu.memref_squeeze %dma_start3A_535 : memref<1x8128xf32, #tpu.memory_space<hbm>> -> memref<8128xf32, #tpu.memory_space<hbm>>
        tpu.enqueue_dma source(%dma_start3A_536 : memref<8128xf32, #tpu.memory_space<hbm>>) target(%arg11 : memref<8128xf32, #tpu.memory_space<vmem>>) target_semaphore(%arg20 : memref<!tpu.dma_semaphore, #tpu.memory_space<semaphore_mem>>)
      } else {
      }
      %dma_start3A_521 = arith.constant 0 : i32
      %dma_start3A_522 = arith.constant 0 : i32
      %dma_start3A_523 = tpu.memref_slice %arg6[%add3A_417, %dma_start3A_521, %dma_start3A_522] : memref<4096x128x128xf32, #tpu.memory_space<hbm>> -> memref<1x128x128xf32, #tpu.memory_space<hbm>>
      %dma_start3A_524 = tpu.memref_squeeze %dma_start3A_523 : memref<1x128x128xf32, #tpu.memory_space<hbm>> -> memref<128x128xf32, #tpu.memory_space<hbm>>
      %dma_start3A_525 = arith.constant 0 : i32
      %dma_start3A_526 = arith.constant 0 : i32
      %dma_start3A_527 = tpu.memref_slice %arg6[%add3A_417, %dma_start3A_525, %dma_start3A_526] : memref<4096x128x128xf32, #tpu.memory_space<hbm>> -> memref<1x128x128xf32, #tpu.memory_space<hbm>>
      %dma_start3A_528 = tpu.memref_squeeze %dma_start3A_527 : memref<1x128x128xf32, #tpu.memory_space<hbm>> -> memref<128x128xf32, #tpu.memory_space<hbm>>
      tpu.enqueue_dma source(%arg18 : memref<128x128xf32, #tpu.memory_space<vmem>>) target(%dma_start3A_528 : memref<128x128xf32, #tpu.memory_space<hbm>>) target_semaphore(%arg21 : memref<!tpu.dma_semaphore, #tpu.memory_space<semaphore_mem>>)
      scf.yield %add3A_509 : vector<16xf32>
    }
    %scan3A_47 = arith.constant 32 : i32
    %dma_wait3A = arith.constant 0 : i32
    %dma_wait3A_48 = arith.constant 0 : i32
    %dma_wait3A_49 = tpu.memref_slice %arg6[%multiple_of3A, %dma_wait3A, %dma_wait3A_48] : memref<4096x128x128xf32, #tpu.memory_space<hbm>> -> memref<1x128x128xf32, #tpu.memory_space<hbm>>
    %dma_wait3A_50 = tpu.memref_squeeze %dma_wait3A_49 : memref<1x128x128xf32, #tpu.memory_space<hbm>> -> memref<128x128xf32, #tpu.memory_space<hbm>>
    %dma_wait3A_51 = arith.constant 0 : i32
    %dma_wait3A_52 = arith.constant 0 : i32
    %dma_wait3A_53 = tpu.memref_slice %arg6[%multiple_of3A, %dma_wait3A_51, %dma_wait3A_52] : memref<4096x128x128xf32, #tpu.memory_space<hbm>> -> memref<1x128x128xf32, #tpu.memory_space<hbm>>
    %dma_wait3A_54 = tpu.memref_squeeze %dma_wait3A_53 : memref<1x128x128xf32, #tpu.memory_space<hbm>> -> memref<128x128xf32, #tpu.memory_space<hbm>>
    tpu.wait_dma2 semaphore(%arg21 : memref<!tpu.dma_semaphore, #tpu.memory_space<semaphore_mem>>) src(%arg15 : memref<128x128xf32, #tpu.memory_space<vmem>>) dst(%dma_wait3A_54 : memref<128x128xf32, #tpu.memory_space<hbm>>)
    %dma_wait3A_55 = arith.constant 0 : i32
    %dma_wait3A_56 = arith.constant 0 : i32
    %dma_wait3A_57 = tpu.memref_slice %arg6[%multiple_of3A, %dma_wait3A_55, %dma_wait3A_56] : memref<4096x128x128xf32, #tpu.memory_space<hbm>> -> memref<1x128x128xf32, #tpu.memory_space<hbm>>
    %dma_wait3A_58 = tpu.memref_squeeze %dma_wait3A_57 : memref<1x128x128xf32, #tpu.memory_space<hbm>> -> memref<128x128xf32, #tpu.memory_space<hbm>>
    %dma_wait3A_59 = arith.constant 0 : i32
    %dma_wait3A_60 = arith.constant 0 : i32
    %dma_wait3A_61 = tpu.memref_slice %arg6[%multiple_of3A, %dma_wait3A_59, %dma_wait3A_60] : memref<4096x128x128xf32, #tpu.memory_space<hbm>> -> memref<1x128x128xf32, #tpu.memory_space<hbm>>
    %dma_wait3A_62 = tpu.memref_squeeze %dma_wait3A_61 : memref<1x128x128xf32, #tpu.memory_space<hbm>> -> memref<128x128xf32, #tpu.memory_space<hbm>>
    tpu.wait_dma2 semaphore(%arg21 : memref<!tpu.dma_semaphore, #tpu.memory_space<semaphore_mem>>) src(%arg16 : memref<128x128xf32, #tpu.memory_space<vmem>>) dst(%dma_wait3A_62 : memref<128x128xf32, #tpu.memory_space<hbm>>)
    %dma_wait3A_63 = arith.constant 0 : i32
    %dma_wait3A_64 = arith.constant 0 : i32
    %dma_wait3A_65 = tpu.memref_slice %arg6[%multiple_of3A, %dma_wait3A_63, %dma_wait3A_64] : memref<4096x128x128xf32, #tpu.memory_space<hbm>> -> memref<1x128x128xf32, #tpu.memory_space<hbm>>
    %dma_wait3A_66 = tpu.memref_squeeze %dma_wait3A_65 : memref<1x128x128xf32, #tpu.memory_space<hbm>> -> memref<128x128xf32, #tpu.memory_space<hbm>>
    %dma_wait3A_67 = arith.constant 0 : i32
    %dma_wait3A_68 = arith.constant 0 : i32
    %dma_wait3A_69 = tpu.memref_slice %arg6[%multiple_of3A, %dma_wait3A_67, %dma_wait3A_68] : memref<4096x128x128xf32, #tpu.memory_space<hbm>> -> memref<1x128x128xf32, #tpu.memory_space<hbm>>
    %dma_wait3A_70 = tpu.memref_squeeze %dma_wait3A_69 : memref<1x128x128xf32, #tpu.memory_space<hbm>> -> memref<128x128xf32, #tpu.memory_space<hbm>>
    tpu.wait_dma2 semaphore(%arg21 : memref<!tpu.dma_semaphore, #tpu.memory_space<semaphore_mem>>) src(%arg17 : memref<128x128xf32, #tpu.memory_space<vmem>>) dst(%dma_wait3A_70 : memref<128x128xf32, #tpu.memory_space<hbm>>)
    %dma_wait3A_71 = arith.constant 0 : i32
    %dma_wait3A_72 = arith.constant 0 : i32
    %dma_wait3A_73 = tpu.memref_slice %arg6[%multiple_of3A, %dma_wait3A_71, %dma_wait3A_72] : memref<4096x128x128xf32, #tpu.memory_space<hbm>> -> memref<1x128x128xf32, #tpu.memory_space<hbm>>
    %dma_wait3A_74 = tpu.memref_squeeze %dma_wait3A_73 : memref<1x128x128xf32, #tpu.memory_space<hbm>> -> memref<128x128xf32, #tpu.memory_space<hbm>>
    %dma_wait3A_75 = arith.constant 0 : i32
    %dma_wait3A_76 = arith.constant 0 : i32
    %dma_wait3A_77 = tpu.memref_slice %arg6[%multiple_of3A, %dma_wait3A_75, %dma_wait3A_76] : memref<4096x128x128xf32, #tpu.memory_space<hbm>> -> memref<1x128x128xf32, #tpu.memory_space<hbm>>
    %dma_wait3A_78 = tpu.memref_squeeze %dma_wait3A_77 : memref<1x128x128xf32, #tpu.memory_space<hbm>> -> memref<128x128xf32, #tpu.memory_space<hbm>>
    tpu.wait_dma2 semaphore(%arg21 : memref<!tpu.dma_semaphore, #tpu.memory_space<semaphore_mem>>) src(%arg18 : memref<128x128xf32, #tpu.memory_space<vmem>>) dst(%dma_wait3A_78 : memref<128x128xf32, #tpu.memory_space<hbm>>)
    %swap3A = arith.constant 0 : index
    %swap3A_79 = tpu.vector_load %arg19[%swap3A] {strides = array<i32>} : memref<16xf32, #tpu.memory_space<vmem>>, vector<16xf32>,
    tpu.vector_store %arg19[%swap3A], %scan3A_46 {strides = array<i32>} : memref<16xf32, #tpu.memory_space<vmem>>, vector<16xf32>,
    "tpu.region"() ({
      %run_scoped3A = tpu.sem_alloc : memref<!tpu.dma_semaphore, #tpu.memory_space<semaphore_mem>>
      %dma_start3A_80 = arith.constant 0 : i32
      %dma_start3A_81 = tpu.memref_slice %arg7[%add3A, %dma_start3A_80] : memref<32x16xf32, #tpu.memory_space<hbm>> -> memref<1x16xf32, #tpu.memory_space<hbm>>
      %dma_start3A_82 = tpu.memref_squeeze %dma_start3A_81 : memref<1x16xf32, #tpu.memory_space<hbm>> -> memref<16xf32, #tpu.memory_space<hbm>>
      %dma_start3A_83 = arith.constant 0 : i32
      %dma_start3A_84 = tpu.memref_slice %arg7[%add3A, %dma_start3A_83] : memref<32x16xf32, #tpu.memory_space<hbm>> -> memref<1x16xf32, #tpu.memory_space<hbm>>
      %dma_start3A_85 = tpu.memref_squeeze %dma_start3A_84 : memref<1x16xf32, #tpu.memory_space<hbm>> -> memref<16xf32, #tpu.memory_space<hbm>>
      tpu.enqueue_dma source(%arg19 : memref<16xf32, #tpu.memory_space<vmem>>) target(%dma_start3A_85 : memref<16xf32, #tpu.memory_space<hbm>>) target_semaphore(%run_scoped3A : memref<!tpu.dma_semaphore, #tpu.memory_space<semaphore_mem>>)
      %dma_wait3A_86 = arith.constant 0 : i32
      %dma_wait3A_87 = tpu.memref_slice %arg7[%add3A, %dma_wait3A_86] : memref<32x16xf32, #tpu.memory_space<hbm>> -> memref<1x16xf32, #tpu.memory_space<hbm>>
      %dma_wait3A_88 = tpu.memref_squeeze %dma_wait3A_87 : memref<1x16xf32, #tpu.memory_space<hbm>> -> memref<16xf32, #tpu.memory_space<hbm>>
      %dma_wait3A_89 = arith.constant 0 : i32
      %dma_wait3A_90 = tpu.memref_slice %arg7[%add3A, %dma_wait3A_89] : memref<32x16xf32, #tpu.memory_space<hbm>> -> memref<1x16xf32, #tpu.memory_space<hbm>>
      %dma_wait3A_91 = tpu.memref_squeeze %dma_wait3A_90 : memref<1x16xf32, #tpu.memory_space<hbm>> -> memref<16xf32, #tpu.memory_space<hbm>>
      tpu.wait_dma2 semaphore(%run_scoped3A : memref<!tpu.dma_semaphore, #tpu.memory_space<semaphore_mem>>) src(%arg19 : memref<16xf32, #tpu.memory_space<vmem>>) dst(%dma_wait3A_91 : memref<16xf32, #tpu.memory_space<hbm>>)
      tpu.yield
    }) : () -> ()
    return
  }
}

</mosaic_0001>

<sc_bundles>
// kernel: _run.3.cloned.1.call-start
scs
__scs_entry_jumppad:
0x0: {  	(pc) =	sbr.rel $0x88, $3  }
0x1: {  	(tag) =	ssettag $0x0;
	lr =	simm.s32 $0x1  }
0x2: {  	[smem:$0x3F9F] =	sst lr;
	_ =	strace $0xD0000000  }
0x3: {  	_ = 	snop  }
0x4: {  	_ = 	snop  }
0x5: {  	_ = 	snop  }
0x6: {  	_ = 	snop  }
0x7: {  	_ = 	snop  }
__scs_overlays_trampoline_lowered:
0x8: {  	[smem:$0x3FAE] =	sst s0  }
0x9: {  	[smem:$0x3FAF] =	sst s1  }
0xa: {  	[smem:$0x3FB0] =	sst s2  }
0xb: {  	[smem:$0x3FB1] =	sst s3  }
0xc: {  	[smem:$0x3FB2] =	sst s4  }
0xd: {  	[smem:$0x3FB3] =	sst s5  }
0xe: {  	[smem:$0x3FB4] =	sst s6  }
0xf: {  	[smem:$0x3FB5] =	sst s7  }
0x10: {  	[smem:$0x3FB6] =	sst s8  }
0x11: {  	[smem:$0x3FB7] =	sst s9;
	s0 =	simm.s32 @!p0 $0x0  }
0x12: {  	s1 =	sld [smem:$0x3F9D];
	s0 =	simm.s32 @p0 $0x1  }
0x13: {  	[smem:$0x3FB8] =	sst s0;
	s0 =	simm.s32 @!p1 $0x0  }
0x14: {  	s2 =	sld [smem:$0x3F9C];
	s0 =	simm.s32 @p1 $0x1  }
0x15: {  	[smem:$0x3FB9] =	sst s0;
	s0 =	simm.s32 @!p2 $0x0  }
0x16: {  	s3 =	sld [smem:$0x3FDB];
	s0 =	simm.s32 @p2 $0x1  }
0x17: {  	s4 =	simm.s32 $0x1BF5;
	[smem:$0x3FBB] =	sst s0  }
0x18: {  	s0 =	sld [smem:$0x3F9E];
	_ =	swait.ge [sflag:s4], $0x0  }
0x19: {  	s7 =	sld [smem:$0x3F9F]  }
0x1a: {  	s8 =	sadd.s32 $0xFFFFE003, lr  }
0x1b: {  	s9 =	sadd.s32 $0xFFFFFEF7, lr;
	s5 =	simm.s32 $0xFFFFFFFF;
	p2 =	slt.u32 s8, $0xFFFFF086  }
0x1c: {  	p1 =	slt.u32 s9, $0xF7A;
	s5 =	simm.s32 @!p2 $0x0  }
0x1d: {  	s5 =	simm.s32 @p1 $0x1;
	p0 =	seq.s32 s7, s2  }
0x1e: {  	s7 =	smul.u32 @!p0 $0xF7A, s2;
	p2 =	seq.s32 @!p0 s5, $0x0  }
0x1f: {  	s9 =	smul.u32 $0xF7A, s1;
	s8 =	simm.s32 @!p0 $0x1BF5;
	p2 =	por !p2, p0  }
0x20: {  	[sflag:s8] =	ssyncset.s32 @!p0 $0xFFFFF086;
	s6 =	sadd.s32 @!p0 s3, s7;
	s7 =	simm.s32 @!p0 $0x108  }
0x21: {  	s3 =	sadd.s32 s3, s9;
	s6 =	sadd.s32 @!p0 $0x88, s6;
	s7 =	simm.s32 @p2 $0x1082  }
0x22: {  	[simem:s7], [sflag:s8] =	dma.local @!p0 [hbm:s6], $0xF7A  }
0x23: {  	s9 =	sor.u32 $0xD0000000, s2;
	s6 =	simm.s32 $0x108;
	_ =	swait.ge @!p0 [sflag:s8], $0x0  }
0x24: {  	s3 =	sadd.s32 $0x88, s3;
	s6 =	simm.s32 @!p1 $0x1082;
	[sflag:s4] =	ssyncset.s32 $0xFFFFF086  }
0x25: {  	[simem:s6], [sflag:s4] =	dma.local [hbm:s3], $0xF7A  }
0x26: {  	[smem:$0x3F9F] =	sst s1;
	(tag) =	ssettag s2;
	_ =	strace s9  }
0x27: {  	s1 =	sld [smem:$0x3FAF]  }
0x28: {  	s2 =	sld [smem:$0x3FB0]  }
0x29: {  	s4 =	sld [smem:$0x3FB2]  }
0x2a: {  	p0 =	seq.s32 s5, $0x0;
	s5 =	sld [smem:$0x3FB3]  }
0x2b: {  	s6 =	sld [smem:$0x3FB4]  }
0x2c: {  	s7 =	sld [smem:$0x3FB5]  }
0x2d: {  	s3 =	simm.s32 $0x108;
	s8 =	sld [smem:$0x3FB6]  }
0x2e: {  	s3 =	simm.s32 @!p0 $0x1082;
	s9 =	sld [smem:$0x3FB7]  }
0x2f: {  	lr =	sadd.s32 s0, s3;
	s0 =	sld [smem:$0x3FAE]  }
0x30: {  	s3 =	sld [smem:$0x3FB1]  }
0x31: {  	[smem:$0x3FBA] =	sst s10  }
0x32: {  	s10 =	sld [smem:$0x3FB8];
	_ =	sdelay $0x3  }
0x33: {  	p0 =	seq.s32 s10, $0x1;
	s10 =	sld [smem:$0x3FBA];
	_ =	sdelay $0x3  }
0x34: {  	[smem:$0x3FBA] =	sst s10  }
0x35: {  	s10 =	sld [smem:$0x3FB9];
	_ =	sdelay $0x3  }
0x36: {  	p1 =	seq.s32 s10, $0x1;
	s10 =	sld [smem:$0x3FBA];
	_ =	sdelay $0x3  }
0x37: {  	[smem:$0x3FBA] =	sst s10  }
0x38: {  	s10 =	sld [smem:$0x3FBB]  }
0x39: {  	_ = 	snop;
	(pc) =	sbr.ind lr, $3  }
0x3a: {  	_ = 	snop  }
0x3b: {  	_ = 	snop  }
0x3c: {  	p2 =	seq.s32 s10, $0x1;
	s10 =	sld [smem:$0x3FBA]  }
0x3d: {  	_ =	shalt  }
0x3e: {  	_ =	shalt  }
0x3f: {  	_ =	shalt  }
0x40: {  	_ =	shalt  }
0x41: {  	_ =	shalt  }
0x42: {  	_ =	shalt  }
0x43: {  	_ =	shalt  }
0x44: {  	_ =	shalt  }
0x45: {  	_ =	shalt  }
0x46: {  	_ =	shalt  }
0x47: {  	_ =	shalt  }
0x48: {  	_ =	shalt  }
0x49: {  	_ =	shalt  }
0x4a: {  	_ =	shalt  }
0x4b: {  	_ =	shalt  }
0x4c: {  	_ =	shalt  }
0x4d: {  	_ =	shalt  }
0x4e: {  	_ =	shalt  }
0x4f: {  	_ =	shalt  }
0x50: {  	_ =	shalt  }
0x51: {  	_ =	shalt  }
0x52: {  	_ =	shalt  }
0x53: {  	_ =	shalt  }
0x54: {  	_ =	shalt  }
0x55: {  	_ =	shalt  }
0x56: {  	_ =	shalt  }
0x57: {  	_ =	shalt  }
0x58: {  	_ =	shalt  }
0x59: {  	_ =	shalt  }
0x5a: {  	_ =	shalt  }
0x5b: {  	_ =	shalt  }
0x5c: {  	_ =	shalt  }
0x5d: {  	_ =	shalt  }
0x5e: {  	_ =	shalt  }
0x5f: {  	_ =	shalt  }
0x60: {  	_ =	shalt  }
0x61: {  	_ =	shalt  }
0x62: {  	_ =	shalt  }
0x63: {  	_ =	shalt  }
0x64: {  	_ =	shalt  }
0x65: {  	_ =	shalt  }
0x66: {  	_ =	shalt  }
0x67: {  	_ =	shalt  }
0x68: {  	_ =	shalt  }
0x69: {  	_ =	shalt  }
0x6a: {  	_ =	shalt  }
0x6b: {  	_ =	shalt  }
0x6c: {  	_ =	shalt  }
0x6d: {  	_ =	shalt  }
0x6e: {  	_ =	shalt  }
0x6f: {  	_ =	shalt  }
0x70: {  	_ =	shalt  }
0x71: {  	_ =	shalt  }
0x72: {  	_ =	shalt  }
0x73: {  	_ =	shalt  }
0x74: {  	_ =	shalt  }
0x75: {  	_ =	shalt  }
0x76: {  	_ =	shalt  }
0x77: {  	_ =	shalt  }
0x78: {  	_ =	shalt  }
0x79: {  	_ =	shalt  }
0x7a: {  	_ =	shalt  }
0x7b: {  	_ =	shalt  }
0x7c: {  	_ =	shalt  }
0x7d: {  	_ =	shalt  }
0x7e: {  	_ =	shalt  }
0x7f: {  	_ =	shalt  }
0x80: {  	_ =	shalt  }
0x81: {  	_ =	shalt  }
0x82: {  	_ =	shalt  }
0x83: {  	_ =	shalt  }
0x84: {  	_ =	shalt  }
0x85: {  	_ =	shalt  }
0x86: {  	_ =	shalt  }
0x87: {  	_ =	shalt  }
.Lfunc_end0:
.L_simem_size_0:
called_computation_lowered:
.L_overlay_start_0:
0x88: {  	s2 =	sld [smem:$0x3FD9]  }
0x89: {  	s3 =	sld [smem:$0x3FFE];
	_ =	sdelay $0x1  }
0x8a: {  	s1 =	srdreg.scid  }
0x8b: {  	s0 =	sand.u32 $0x1, s1  }
0x8c: {  	s14 =	sshll.u32 s0, $0xA;
	s2 =	sadd.s32 s3, s2  }
0x8d: {  	s2 =	sadd.s32 s2, s14  }
0x8e: {  	[smem:$0x3FC6] =	sst s2  }
0x8f: {  	_ = 	snop  }
0x90: {  	s2 =	sld [smem:$0x3FD0];
	_ =	sdelay $0x2  }
0x91: {  	s4 =	simm.s32 $0xA;
	s5 =	simm.s32 $0x10;
	s15 =	sld [smem:$0x3FC9]  }
0x92: {  	[smem:s5], [sflag:s4] =	dma.local [hbm:s2], $0x1  }
0x93: {  	_ =	swait.eq [sflag:s4], $0x1  }
0x94: {  	[sflag:s4] =	ssyncset.done $0x0  }
0x95: {  	s16 =	sld [smem:$0x10];
	[sflag:s4] =	ssyncadd.s32 $0xFFFFFFFF  }
0x96: {  	s17 =	sld [smem:$0x11];
	(tm) =	ssettm $0x1  }
0x97: {  	s18 =	sld [smem:$0x3FFB];
	_ =	sdelay $0x3  }
0x98: {  	_ =	strace s18  }
0x99: {  	s5 =	sld [smem:$0x3FFC];
	_ =	sdelay $0x3  }
0x9a: {  	_ =	strace s5  }
0x9b: {  	s5 =	sld [smem:$0x3FFD];
	_ =	sdelay $0x3  }
0x9c: {  	_ =	strace s5  }
0x9d: {  	_ =	strace $0x8FFFFFFF  }
0x9e: {  	s19 =	sld [smem:$0x3FDB];
	_ =	sdelay $0x1  }
0x9f: {  	s6 =	simm.s32 $_scs_section_size  }
0xa0: {  	s7 =	simm.s32 $_size__tile_overlayer_lowered;
	s8 =	simm.s32 $_tile_overlayer_lowered  }
0xa1: {  	s22 =	simm.s32 $0x1BFF;
	s21 =	sshll.u32 s8, $0x1;
	s5 =	sadd.s32 s6, s19  }
0xa2: {  	s9 =	simm.s32 $0x0;
	s20 =	sshll.u32 s7, $0x1;
	s7 =	sadd.s32 s21, s5  }
0xa3: {  	[timem:s9], [sflag:s22] =	dma.local [hbm:s7], s20  }
0xa4: {  	_ =	swait.ge [sflag:s22], s20  }
0xa5: {  	s6 =	ssub.s32 $0x0, s20;
	[sflag:s22] =	ssyncset.done $0x0  }
0xa6: {  	[sflag:s22] =	ssyncadd.s32 s6;
	_ =	sdelay $0x1  }
0xa7: {  	s23 =	simm.s32 $0x1B8B  }
0xa8: {  	_ =	swait.ge [sflag:s23], $0x1  }
0xa9: {  	[sflag:s23] =	ssyncset.done $0x0  }
0xaa: {  	s25 =	simm.s32 $0x1B8E;
	s24 =	sld [smem:$0x3FFE];
	[sflag:s23] =	ssyncadd.s32 $0xFFFFFFFF  }
0xab: {  	s26 =	simm.s32 $execute0_lowered;
	[smem:$0x3FD2] =	sst s25  }
0xac: {  	s7 =	sshll.u32 s26, $0x1;
	_ =	strace $0x80000046;
	[dreg:$0x1] =	wrdreg $0xFFFFFFFF  }
0xad: {  	s28 =	simm.s32 $_size_execute0_lowered;
	s5 =	sadd.s32 s5, s7;
	[dreg:$0x0] =	wrdreg $0x0  }
0xae: {  	s7 =	sshll.u32 s28, $0x1;
	[dreg:$0x2] =	wrdreg s5  }
0xaf: {  	[dreg:$0x3] =	wrdreg s7  }
0xb0: {  	[dreg:$0x4] =	wrdreg $0xC0  }
0xb1: {  	_ =	task [dreg:s9], $0x5FFFF  }
0xb2: {  	[dreg:$0x1] =	wrdreg $0xFFFFFFFF  }
0xb3: {  	[dreg:$0x0] =	wrdreg $0x60  }
0xb4: {  	[dreg:$0x2] =	wrdreg s15  }
0xb5: {  	[dreg:$0x3] =	wrdreg s24  }
0xb6: {  	[dreg:$0x4] =	wrdreg s17  }
0xb7: {  	[dreg:$0x5] =	wrdreg s16  }
0xb8: {  	[dreg:$0x6] =	wrdreg $0x9  }
0xb9: {  	_ =	task.clear_ibuf [dreg:s9], $0x7FFFF;
	_ =	strace $0x90000046  }
0xba: {  	s29 =	simm.s32 $0x9;
	_ =	strace $0x80000048  }
0xbb: {  	_ =	swait.ge [sflag:s29], $0x1  }
0xbc: {  	[sflag:s29] =	ssyncadd.s32 $0xFFFFFFFF  }
0xbd: {  	_ =	strace $0x90000048  }
0xbe: {  	_ =	sfence  }
0xbf: {  	s30 =	sld [smem:$0x0];
	_ =	sdelay $0x2  }
0xc0: {  	s31 =	sshll.u32 s1, $0xD;
	s1 =	sshrl.u32 s1, $0x2  }
0xc1: {  	s3 =	sand.u32 $0x4000, s31;
	s1 =	sadd.s32 s1, s30  }
0xc2: {  	s0 =	sor.u32 s3, s0;
	s1 =	sshll.u32 s1, $0x11  }
0xc3: {  	s0 =	sor.u32 s1, s0  }
0xc4: {  	s0 =	sadd.s32 $0x8F2B, s0  }
0xc5: {  	[sflag:s0] =	ssyncadd.remote.s32 $0x1  }
0xc6: {  	_ =	sfence.sel $0xFFFF  }
0xc7: {  	[dreg:$0x0] =	wrdreg $0xFFFFFFFF;
	(pc) =	sbr.abs _section_cstart, $3  }
0xc8: {  	[dreg:$0x1] =	wrdreg $0xFFFFFFFF  }
0xc9: {  	_ =	task.clear_ibuf [dreg:s9], $0x2FFFF;
	_ =	strace $0x9FFFFFFF  }
0xca: {  	(tm) =	ssettm $0x7FFFFFFF  }
0xcb: {  	_ =	shalt  }
tec
execute0_lowered:
.L_overlay_start_1:
0x0: {  	(tag) =	ssettag $0x1  }
0x1: {  	s0 =	rddreg [dreg:$0x0]  }
0x2: {  	s1 =	rddreg [dreg:$0x1]  }
0x3: {  	s3 =	rddreg [dreg:$0x3];
	s4 =	simm.s32 $0x0  }
0x4: {  	s2 =	srdreg.scid;
	s5 =	stileid.u32;
	s19 =	simm.s32 $0x3  }
0x5: {  	s22 =	simm.s32 $0x80;
	s23 =	simm.s32 $0x400;
	s28 =	simm.s32 $0x1  }
0x6: {  	s29 =	simm.s32 $0xE080;
	s30 =	simm.s32 $0x12080;
	s31 =	simm.s32 $0x16080  }
0x7: {  	s18 =	simm.s32 $0x0;
	[smem:$0x7FF] =	sst s4;
	s2 =	sand.u32 $0x1, s2  }
0x8: {  	s6 =	sshll.u32 s5, $0x1;
	s5 =	sadd.s32 $0x600, s1;
	s7 =	sadd.s32 $0x400600, s1  }
0x9: {  	s13 =	sadd.s32 $0x800, s3;
	s14 =	sadd.s32 $0x1000, s3;
	s15 =	sadd.s32 $0x1800, s3  }
0xa: {  	_ =	strace $0x80000047;
	s6 =	sor.u32 s2, s6;
	s2 =	ssub.s32 $0x2, s2  }
0xb: {  	[dreg:$0x5] =	wrdreg s7;
	s25 =	sshll.u32 s6, $0x4;
	s26 =	sshrl.u32 s2, $0x1  }
0xc: {  	s8 =	sshll.u32 s6, $0x11;
	s9 =	sshll.u32 s6, $0xB;
	s1 =	sadd.s32 s25, s1  }
0xd: {  	s2 =	ssub.s32 s2, s26;
	s7 =	sadd.s32 s5, s8;
	s0 =	sadd.s32 s0, s9  }
0xe: {  	s8 =	sshll.u32 s6, $0x7;
	[dreg:$0x6] =	wrdreg s0;
	s10 =	sadd.s32 $0x10, s7  }
0xf: {  	s11 =	sadd.s32 $0x20, s7;
	s12 =	sadd.s32 $0x30, s7;
	s16 =	sadd.s32 $0x400A00, s1  }
0x10: {  	v0 =	vimm.f32 $0.0e+00;
	s17 =	smax.u32 s2, $0x1;
	s0 =	simm.s32 $0x1A080;
	s2 =	simm.s32 $0x2  }
.LBB2_1:
0x11: {  	s1 =	rddreg [dreg:$0x5];
	s6 =	simm.s32 $0xC000  }
0x12: {  	[tilespmem:s6], [sflag:$0x3] =	stream.linear.gather [hbm4b:s1+s4], $0x2000, $0x38;
	[tilespmem:$0x1E100] =	vst v63  }
0x13: {  	_ =	swait.ge [sflag:s19], $0x2000  }
0x14: {  	[sflag:s19] =	ssyncset.done $0x0  }
0x15: {  	[sflag:s19] =	ssyncadd.s32 $0xFFFFE000  }
0x16: {  	s24 =	simm.s32 $0xE000;
	s21 =	rddreg [dreg:$0x2]  }
0x17: {  	[tilespmem:s24], [sflag:$0x3] =	stream.linear.gather [hbm4b:s21+s4], $0x80, $0x38;
	[tilespmem:$0x1E100] =	vst v63  }
0x18: {  	_ =	swait.ge [sflag:s19], $0x80  }
0x19: {  	[sflag:s19] =	ssyncset.done $0x0  }
0x1a: {  	s26 =	simm.s32 $0x8000;
	s25 =	rddreg [dreg:$0x6];
	[sflag:s19] =	ssyncadd.s32 $0xFFFFFF80  }
0x1b: {  	[tilespmem:s26], [sflag:$0x3] =	stream.linear.gather [hbm4b:s25+s4], $0x4000, $0x38;
	[tilespmem:$0x1E100] =	vst v63  }
0x1c: {  	_ =	swait.ge [sflag:s19], $0x4000  }
0x1d: {  	[sflag:s19] =	ssyncset.done $0x0  }
0x1e: {  	s20 =	simm.s32 $0x0;
	s1 =	simm.s32 $0x200;
	[sflag:s19] =	ssyncadd.s32 $0xFFFFC000  }
.LBB2_2:
0x1f: {  	p0 =	sne.s32 s1, $0xFE00;
	[tilespmem:s20+$0x1A0F0] =	vst v0  }
0x20: {  	[tilespmem:s20+$0xE080] =	vst v0  }
0x21: {  	[tilespmem:s20+$0xE090] =	vst v0  }
0x22: {  	[tilespmem:s20+$0xE0A0] =	vst v0  }
0x23: {  	[tilespmem:s20+$0xE0B0] =	vst v0  }
0x24: {  	[tilespmem:s20+$0xE0C0] =	vst v0  }
0x25: {  	[tilespmem:s20+$0xE0D0] =	vst v0  }
0x26: {  	[tilespmem:s20+$0xE0E0] =	vst v0  }
0x27: {  	[tilespmem:s20+$0xE0F0] =	vst v0  }
0x28: {  	[tilespmem:s20+$0x12080] =	vst v0  }
0x29: {  	[tilespmem:s20+$0x12090] =	vst v0  }
0x2a: {  	[tilespmem:s20+$0x120A0] =	vst v0  }
0x2b: {  	[tilespmem:s20+$0x120B0] =	vst v0  }
0x2c: {  	[tilespmem:s20+$0x120C0] =	vst v0  }
0x2d: {  	[tilespmem:s20+$0x120D0] =	vst v0  }
0x2e: {  	[tilespmem:s20+$0x120E0] =	vst v0  }
0x2f: {  	[tilespmem:s20+$0x120F0] =	vst v0  }
0x30: {  	[tilespmem:s20+$0x16080] =	vst v0  }
0x31: {  	[tilespmem:s20+$0x16090] =	vst v0  }
0x32: {  	[tilespmem:s20+$0x160A0] =	vst v0  }
0x33: {  	[tilespmem:s20+$0x160B0] =	vst v0  }
0x34: {  	[tilespmem:s20+$0x160C0] =	vst v0  }
0x35: {  	[tilespmem:s20+$0x160D0] =	vst v0  }
0x36: {  	[tilespmem:s20+$0x160E0] =	vst v0  }
0x37: {  	[tilespmem:s20+$0x160F0] =	vst v0  }
0x38: {  	[tilespmem:s20+$0x1A080] =	vst v0  }
0x39: {  	[tilespmem:s20+$0x1A090] =	vst v0  }
.Ltmp0:
0x3a: {  	[tilespmem:s20+$0x1A0A0] =	vst v0;
	(pc) =	sbr.rel @p0 .LBB2_2-.Ltmp0, $4  }
0x3b: {  	[tilespmem:s20+$0x1A0B0] =	vst v0  }
0x3c: {  	[tilespmem:s20+$0x1A0C0] =	vst v0  }
0x3d: {  	[tilespmem:s20+$0x1A0D0] =	vst v0  }
0x3e: {  	[tilespmem:s20+$0x1A0E0] =	vst v0;
	s20 =	sshra.s32 s1, $0x2;
	s1 =	sadd.s32 $0x200, s1  }
0x3f: {  	[tilespmem:s20+$0x1A0F0] =	vst v0  }
0x40: {  	[tilespmem:s20+$0xE080] =	vst v0  }
0x41: {  	[tilespmem:s20+$0xE090] =	vst v0  }
0x42: {  	[tilespmem:s20+$0xE0A0] =	vst v0  }
0x43: {  	[tilespmem:s20+$0xE0B0] =	vst v0  }
0x44: {  	[tilespmem:s20+$0xE0C0] =	vst v0  }
0x45: {  	[tilespmem:s20+$0xE0D0] =	vst v0  }
0x46: {  	[tilespmem:s20+$0xE0E0] =	vst v0  }
0x47: {  	[tilespmem:s20+$0xE0F0] =	vst v0  }
0x48: {  	[tilespmem:s20+$0x12080] =	vst v0  }
0x49: {  	[tilespmem:s20+$0x12090] =	vst v0  }
0x4a: {  	[tilespmem:s20+$0x120A0] =	vst v0  }
0x4b: {  	[tilespmem:s20+$0x120B0] =	vst v0  }
0x4c: {  	[tilespmem:s20+$0x120C0] =	vst v0  }
0x4d: {  	[tilespmem:s20+$0x120D0] =	vst v0  }
0x4e: {  	[tilespmem:s20+$0x120E0] =	vst v0  }
0x4f: {  	[tilespmem:s20+$0x120F0] =	vst v0  }
0x50: {  	[tilespmem:s20+$0x16080] =	vst v0  }
0x51: {  	[tilespmem:s20+$0x16090] =	vst v0  }
0x52: {  	[tilespmem:s20+$0x160A0] =	vst v0  }
0x53: {  	[tilespmem:s20+$0x160B0] =	vst v0  }
0x54: {  	[tilespmem:s20+$0x160C0] =	vst v0  }
0x55: {  	[tilespmem:s20+$0x160D0] =	vst v0  }
0x56: {  	[tilespmem:s20+$0x160E0] =	vst v0  }
0x57: {  	[tilespmem:s20+$0x160F0] =	vst v0  }
0x58: {  	[tilespmem:s20+$0x1A080] =	vst v0  }
0x59: {  	[tilespmem:s20+$0x1A090] =	vst v0  }
0x5a: {  	[tilespmem:s20+$0x1A0A0] =	vst v0  }
0x5b: {  	[tilespmem:s20+$0x1A0B0] =	vst v0  }
0x5c: {  	[tilespmem:s20+$0x1A0C0] =	vst v0  }
0x5d: {  	[tilespmem:s20+$0x1A0D0] =	vst v0  }
0x5e: {  	[tilespmem:s20+$0x1A0E0] =	vst v0;
	s20 =	simm.s32 $0x0  }
0x5f: {  	[tilespmem:s20], [sflag:$0x1] =	stream.strided.gather [hbm4b:s7+s22], $0x2000, s23, s22, $0x38;
	[tilespmem:$0x1E100] =	vst v63  }
0x60: {  	s1 =	simm.s32 $0x2000  }
0x61: {  	[tilespmem:s1], [sflag:$0x1] =	stream.strided.gather [hbm4b:s10+s22], $0x2000, s23, s22, $0x38;
	[tilespmem:$0x1E100] =	vst v63  }
0x62: {  	s25 =	simm.s32 $0x4000  }
0x63: {  	[tilespmem:s25], [sflag:$0x1] =	stream.strided.gather [hbm4b:s11+s22], $0x2000, s23, s22, $0x38;
	[tilespmem:$0x1E100] =	vst v63  }
0x64: {  	s26 =	simm.s32 $0x6000  }
0x65: {  	v1 =	vimm.f32 $0.0e+00;
	[tilespmem:s26], [sflag:$0x1] =	stream.strided.gather [hbm4b:s12+s22], $0x2000, s23, s22, $0x38;
	[tilespmem:$0x1E100] =	vst v63  }
.LBB2_4:
0x66: {  	p1 =	seq.s32 s20, $0x0  }
0x67: {  	s1 =	simm.s32 @!p1 $0x2  }
0x68: {  	_ =	swait.ge @!p1 [sflag:s1], $0x4000  }
0x69: {  	[sflag:s1] =	ssyncset.done @!p1 $0x0  }
0x6a: {  	[sflag:s1] =	ssyncadd.s32 @!p1 $0xFFFFC000  }
0x6b: {  	_ =	swait.ge [sflag:s28], $0x2000  }
0x6c: {  	[sflag:s28] =	ssyncset.done $0x0  }
0x6d: {  	s25 =	simm.s32 $0xC080;
	[sflag:s28] =	ssyncadd.s32 $0xFFFFE000  }
0x6e: {  	v7 =	vld [tilespmem:s25+$0x70]  }
0x6f: {  	v2 =	vld [tilespmem:s25+$0xFFFFFF80]  }
0x70: {  	s24 =	simm.s32 $0x80;
	v8 =	vld [tilespmem:s25+$0xFFFFFF90]  }
0x71: {  	v9 =	vld [tilespmem:s24+$0x70]  }
0x72: {  	v10 =	vld [tilespmem:s25+$0xFFFFFFA0]  }
0x73: {  	v11 =	vld [tilespmem:s25+$0xFFFFFFB0]  }
0x74: {  	v12 =	vld [tilespmem:s25+$0xFFFFFFC0]  }
0x75: {  	v13 =	vld [tilespmem:s25+$0xFFFFFFD0]  }
0x76: {  	v14 =	vld [tilespmem:s25+$0xFFFFFFE0]  }
0x77: {  	v15 =	vld [tilespmem:s25+$0xFFFFFFF0]  }
0x78: {  	v16 =	vld [tilespmem:s25+$0x0]  }
0x79: {  	v17 =	vld [tilespmem:s25+$0x10]  }
0x7a: {  	v18 =	vld [tilespmem:s25+$0x20]  }
0x7b: {  	v6 =	vld [tilespmem:s25+$0x30]  }
0x7c: {  	v5 =	vld [tilespmem:s25+$0x40]  }
0x7d: {  	v4 =	vld [tilespmem:s25+$0x50]  }
0x7e: {  	v3 =	vld [tilespmem:s25+$0x60]  }
0x7f: {  	v19 =	vld [tilespmem:s24+$0xFFFFFF90]  }
0x80: {  	v20 =	vld [tilespmem:s24+$0xFFFFFFA0]  }
0x81: {  	v21 =	vld [tilespmem:s24+$0xFFFFFFB0]  }
0x82: {  	v22 =	vld [tilespmem:s24+$0xFFFFFFC0]  }
0x83: {  	v63 =	vld [tilespmem:s24+$0x20];
	[tilespmem:v7+s29+$0x0] =	vst.idx.msk $0xffff, v9  }
0x84: {  	v7 =	vld [tilespmem:s24+$0xFFFFFFD0];
	[tilespmem:v8+s29+$0x0] =	vst.idx.msk $0xffff, v19  }
0x85: {  	v8 =	vld [tilespmem:s24+$0xFFFFFFE0];
	[tilespmem:v10+s29+$0x0] =	vst.idx.msk $0xffff, v20  }
0x86: {  	v9 =	vld [tilespmem:s24+$0xFFFFFFF0];
	[tilespmem:v11+s29+$0x0] =	vst.idx.msk $0xffff, v21  }
0x87: {  	v10 =	vld [tilespmem:s24+$0x0];
	[tilespmem:v12+s29+$0x0] =	vst.idx.msk $0xffff, v22  }
0x88: {  	v11 =	vld [tilespmem:s24+$0x10];
	[tilespmem:v18+s29+$0x0] =	vst.idx.msk $0xffff, v63  }
0x89: {  	[tilespmem:v13+s29+$0x0] =	vst.idx.msk $0xffff, v7;
	v7 =	vld [tilespmem:s24+$0x30]  }
0x8a: {  	[tilespmem:v14+s29+$0x0] =	vst.idx.msk $0xffff, v8;
	v8 =	vld [tilespmem:s24+$0x40]  }
0x8b: {  	[tilespmem:v15+s29+$0x0] =	vst.idx.msk $0xffff, v9;
	v9 =	vld [tilespmem:s24+$0x50]  }
0x8c: {  	s26 =	sshll.u32 s20, $0x2;
	[tilespmem:v16+s29+$0x0] =	vst.idx.msk $0xffff, v10;
	v10 =	vld [tilespmem:s24+$0x60]  }
0x8d: {  	s21 =	sadd.s32 s8, s26;
	s1 =	simm.s32 $0xC180;
	s25 =	simm.s32 $0x0;
	[tilespmem:v17+s29+$0x0] =	vst.idx.msk $0xffff, v11;
	v11 =	vld [tilespmem:s24+$0xFFFFFF80]  }
.LBB2_5:
0x8e: {  	v12 =	vld [tilespmem:s1+$0x70];
	s25 =	sadd.s32 $0x10, s25;
	[tilespmem:v6+s29+$0x0] =	vst.idx.msk $0xffff, v7  }
0x8f: {  	v6 =	vld [tilespmem:s1+$0xFFFFFF80];
	p0 =	slt.u32 s25, $0x1E0;
	[tilespmem:v5+s29+$0x0] =	vst.idx.msk $0xffff, v8  }
0x90: {  	s24 =	sadd.s32 $0x100, s24;
	v7 =	vld [tilespmem:s1+$0xFFFFFF90];
	[tilespmem:v4+s29+$0x0] =	vst.idx.msk $0xffff, v9  }
0x91: {  	v4 =	vld [tilespmem:s24+$0x70];
	[tilespmem:v3+s29+$0x0] =	vst.idx.msk $0xffff, v10  }
0x92: {  	v8 =	vld [tilespmem:s1+$0xFFFFFFA0];
	[tilespmem:v2+s29+$0x0] =	vst.idx.msk $0xffff, v11  }
0x93: {  	v9 =	vld [tilespmem:s1+$0xFFFFFFB0]  }
0x94: {  	v10 =	vld [tilespmem:s1+$0xFFFFFFC0];
	v2 =	vmov v6  }
0x95: {  	v11 =	vld [tilespmem:s1+$0xFFFFFFD0]  }
0x96: {  	s6 =	simm.s32 $0x0;
	v13 =	vld [tilespmem:s1+$0xFFFFFFE0];
	[tilespmem:v12+s29+$0x0] =	vst.idx.msk $0xffff, v4  }
0x97: {  	v12 =	vld [tilespmem:s1+$0xFFFFFFF0]  }
0x98: {  	v14 =	vld [tilespmem:s1+$0x0]  }
0x99: {  	v15 =	vld [tilespmem:s1+$0x10]  }
0x9a: {  	v16 =	vld [tilespmem:s1+$0x20]  }
0x9b: {  	v6 =	vld [tilespmem:s1+$0x30]  }
0x9c: {  	v5 =	vld [tilespmem:s1+$0x40]  }
0x9d: {  	v4 =	vld [tilespmem:s1+$0x50]  }
0x9e: {  	v3 =	vld [tilespmem:s1+$0x60]  }
0x9f: {  	v17 =	vld [tilespmem:s24+$0xFFFFFF90]  }
0xa0: {  	v18 =	vld [tilespmem:s24+$0xFFFFFFA0]  }
0xa1: {  	v19 =	vld [tilespmem:s24+$0xFFFFFFB0]  }
0xa2: {  	v20 =	vld [tilespmem:s24+$0xFFFFFFC0]  }
0xa3: {  	v21 =	vld [tilespmem:s24+$0xFFFFFFD0]  }
0xa4: {  	[tilespmem:v7+s29+$0x0] =	vst.idx.msk $0xffff, v17;
	v7 =	vld [tilespmem:s24+$0xFFFFFFE0]  }
0xa5: {  	[tilespmem:v8+s29+$0x0] =	vst.idx.msk $0xffff, v18;
	v8 =	vld [tilespmem:s24+$0xFFFFFFF0]  }
0xa6: {  	[tilespmem:v9+s29+$0x0] =	vst.idx.msk $0xffff, v19;
	v9 =	vld [tilespmem:s24+$0x0]  }
0xa7: {  	[tilespmem:v10+s29+$0x0] =	vst.idx.msk $0xffff, v20;
	v10 =	vld [tilespmem:s24+$0x10]  }
0xa8: {  	[tilespmem:v11+s29+$0x0] =	vst.idx.msk $0xffff, v21;
	v17 =	vld [tilespmem:s24+$0x20]  }
.Ltmp1:
0xa9: {  	[tilespmem:v13+s29+$0x0] =	vst.idx.msk $0xffff, v7;
	v7 =	vld [tilespmem:s24+$0x30];
	(pc) =	sbr.rel @p0 .LBB2_5-.Ltmp1, $4  }
0xaa: {  	[tilespmem:v12+s29+$0x0] =	vst.idx.msk $0xffff, v8;
	v8 =	vld [tilespmem:s24+$0x40]  }
0xab: {  	[tilespmem:v14+s29+$0x0] =	vst.idx.msk $0xffff, v9;
	v9 =	vld [tilespmem:s24+$0x50]  }
0xac: {  	[tilespmem:v15+s29+$0x0] =	vst.idx.msk $0xffff, v10;
	v10 =	vld [tilespmem:s24+$0x60]  }
0xad: {  	s1 =	sadd.s32 $0x100, s1;
	v11 =	vld [tilespmem:s24+$0xFFFFFF80];
	[tilespmem:v16+s29+$0x0] =	vst.idx.msk $0xffff, v17  }
0xae: {  	_ =	sdelay $0x3  }
0xaf: {  	[tilespmem:v6+s29+$0x0] =	vst.idx.msk $0xffff, v7  }
0xb0: {  	[tilespmem:v5+s29+$0x0] =	vst.idx.msk $0xffff, v8  }
0xb1: {  	[tilespmem:v4+s29+$0x0] =	vst.idx.msk $0xffff, v9  }
0xb2: {  	[tilespmem:v3+s29+$0x0] =	vst.idx.msk $0xffff, v10  }
0xb3: {  	[tilespmem:v2+s29+$0x0] =	vst.idx.msk $0xffff, v11  }
.LBB2_7:
0xb4: {  	s1 =	sshra.s32 s6, $0x2  }
0xb5: {  	v2 =	vld [tilespmem:s1+$0xDF00];
	_ =	sdelay $0x2  }
0xb6: {  	p0 =	sne.s32 s6, $0x2C0;
	v3 =	vld [tilespmem:s1+$0x1F00]  }
.Ltmp2:
0xb7: {  	_ = 	snop;
	(pc) =	sbr.rel @p0 .LBB2_7-.Ltmp2, $2  }
0xb8: {  	_ =	sdelay $0x2  }
0xb9: {  	s6 =	sadd.s32 $0x40, s6;
	[tilespmem:v2+s29+$0x0] =	vst.idx.msk $0xffff, v3  }
0xba: {  	s1 =	sshll.u32 s20, $0x9  }
0xbb: {  	s24 =	sand.u32 $0x3FFFFE00, s1  }
0xbc: {  	v3 =	vld [tilespmem:s24+$0x8000];
	_ =	sdelay $0x3  }
0xbd: {  	v2 =	vld [tilespmem:$0xE000]  }
0xbe: {  	v4 =	vmul.f32 $1.442695020e+00, v3;
	_ =	sdelay $0x1  }
0xbf: {  	(erf) = vpow2.f32 v4;
	_ =	sdelay $0x1  }
0xc0: {  	v4 =	vshrl.u32 v2, $0x7  }
0xc1: {  	v2 =	vand.u32 $0xFFFFFF80, v2;
	v5 =	vand.u32 $0x1FFFF80, v4  }
0xc2: {  	v4 =	vand.u32 $0x7F, v4;
	v2 =	vadd.s32 v2, v5  }
0xc3: {  	v2 =	vor.u32 v4, v2;
	_ =	sdelay $0x3  }
0xc4: {  	v4 =	vpop (erf)  }
0xc5: {  	[tilespmem:v2+s29+$0x0] =	vst.idx.msk $0xffff, v4  }
0xc6: {  	v8 =	vld [tilespmem:s24+$0x8010];
	_ =	sdelay $0x3  }
0xc7: {  	v2 =	vld [tilespmem:$0xE010]  }
0xc8: {  	v4 =	vmul.f32 $1.442695020e+00, v8;
	_ =	sdelay $0x1  }
0xc9: {  	(erf) = vpow2.f32 v4;
	_ =	sdelay $0x1  }
0xca: {  	v4 =	vshrl.u32 v2, $0x7  }
0xcb: {  	v2 =	vand.u32 $0xFFFFFF80, v2;
	v5 =	vand.u32 $0x1FFFF80, v4  }
0xcc: {  	v4 =	vand.u32 $0x7F, v4;
	v2 =	vadd.s32 v2, v5  }
0xcd: {  	v2 =	vor.u32 v4, v2;
	_ =	sdelay $0x3  }
0xce: {  	v4 =	vpop (erf)  }
0xcf: {  	[tilespmem:v2+s29+$0x0] =	vst.idx.msk $0xffff, v4  }
0xd0: {  	v9 =	vld [tilespmem:s24+$0x8020];
	_ =	sdelay $0x3  }
0xd1: {  	v2 =	vld [tilespmem:$0xE020]  }
0xd2: {  	v4 =	vmul.f32 $1.442695020e+00, v9;
	_ =	sdelay $0x1  }
0xd3: {  	(erf) = vpow2.f32 v4;
	_ =	sdelay $0x1  }
0xd4: {  	v4 =	vshrl.u32 v2, $0x7  }
0xd5: {  	v2 =	vand.u32 $0xFFFFFF80, v2;
	v5 =	vand.u32 $0x1FFFF80, v4  }
0xd6: {  	v4 =	vand.u32 $0x7F, v4;
	v2 =	vadd.s32 v2, v5  }
0xd7: {  	v2 =	vor.u32 v4, v2;
	_ =	sdelay $0x3  }
0xd8: {  	v4 =	vpop (erf)  }
0xd9: {  	[tilespmem:v2+s29+$0x0] =	vst.idx.msk $0xffff, v4  }
0xda: {  	v10 =	vld [tilespmem:s24+$0x8030];
	_ =	sdelay $0x3  }
0xdb: {  	v2 =	vld [tilespmem:$0xE030]  }
0xdc: {  	v4 =	vmul.f32 $1.442695020e+00, v10;
	_ =	sdelay $0x1  }
0xdd: {  	(erf) = vpow2.f32 v4;
	_ =	sdelay $0x1  }
0xde: {  	v4 =	vshrl.u32 v2, $0x7  }
0xdf: {  	v2 =	vand.u32 $0xFFFFFF80, v2;
	v5 =	vand.u32 $0x1FFFF80, v4  }
0xe0: {  	v4 =	vand.u32 $0x7F, v4;
	v2 =	vadd.s32 v2, v5  }
0xe1: {  	v2 =	vor.u32 v4, v2;
	_ =	sdelay $0x3  }
0xe2: {  	v4 =	vpop (erf)  }
0xe3: {  	[tilespmem:v2+s29+$0x0] =	vst.idx.msk $0xffff, v4  }
0xe4: {  	v11 =	vld [tilespmem:s24+$0x8040];
	_ =	sdelay $0x3  }
0xe5: {  	v2 =	vld [tilespmem:$0xE040]  }
0xe6: {  	v4 =	vmul.f32 $1.442695020e+00, v11;
	_ =	sdelay $0x1  }
0xe7: {  	(erf) = vpow2.f32 v4;
	_ =	sdelay $0x1  }
0xe8: {  	v4 =	vshrl.u32 v2, $0x7  }
0xe9: {  	v2 =	vand.u32 $0xFFFFFF80, v2;
	v5 =	vand.u32 $0x1FFFF80, v4  }
0xea: {  	v4 =	vand.u32 $0x7F, v4;
	v2 =	vadd.s32 v2, v5  }
0xeb: {  	v2 =	vor.u32 v4, v2;
	_ =	sdelay $0x3  }
0xec: {  	v4 =	vpop (erf)  }
0xed: {  	[tilespmem:v2+s29+$0x0] =	vst.idx.msk $0xffff, v4  }
0xee: {  	v12 =	vld [tilespmem:s24+$0x8050];
	_ =	sdelay $0x3  }
0xef: {  	v2 =	vld [tilespmem:$0xE050]  }
0xf0: {  	v4 =	vmul.f32 $1.442695020e+00, v12;
	_ =	sdelay $0x1  }
0xf1: {  	(erf) = vpow2.f32 v4;
	_ =	sdelay $0x1  }
0xf2: {  	v4 =	vshrl.u32 v2, $0x7  }
0xf3: {  	v2 =	vand.u32 $0xFFFFFF80, v2;
	v5 =	vand.u32 $0x1FFFF80, v4  }
0xf4: {  	v4 =	vand.u32 $0x7F, v4;
	v2 =	vadd.s32 v2, v5  }
0xf5: {  	v2 =	vor.u32 v4, v2;
	_ =	sdelay $0x3  }
0xf6: {  	v4 =	vpop (erf)  }
0xf7: {  	[tilespmem:v2+s29+$0x0] =	vst.idx.msk $0xffff, v4  }
0xf8: {  	v13 =	vld [tilespmem:s24+$0x8060];
	_ =	sdelay $0x3  }
0xf9: {  	v2 =	vld [tilespmem:$0xE060]  }
0xfa: {  	v4 =	vmul.f32 $1.442695020e+00, v13;
	_ =	sdelay $0x1  }
0xfb: {  	(erf) = vpow2.f32 v4;
	_ =	sdelay $0x1  }
0xfc: {  	v4 =	vshrl.u32 v2, $0x7  }
0xfd: {  	v2 =	vand.u32 $0xFFFFFF80, v2;
	v5 =	vand.u32 $0x1FFFF80, v4  }
0xfe: {  	v4 =	vand.u32 $0x7F, v4;
	v2 =	vadd.s32 v2, v5  }
0xff: {  	v2 =	vor.u32 v4, v2;
	_ =	sdelay $0x3  }
0x100: {  	v4 =	vpop (erf)  }
0x101: {  	[tilespmem:v2+s29+$0x0] =	vst.idx.msk $0xffff, v4  }
0x102: {  	v14 =	vld [tilespmem:s24+$0x8070];
	_ =	sdelay $0x3  }
0x103: {  	v2 =	vld [tilespmem:$0xE070]  }
0x104: {  	v4 =	vmul.f32 $1.442695020e+00, v14;
	_ =	sdelay $0x1  }
0x105: {  	(erf) = vpow2.f32 v4;
	_ =	sdelay $0x1  }
0x106: {  	v4 =	vshrl.u32 v2, $0x7  }
0x107: {  	v2 =	vand.u32 $0xFFFFFF80, v2;
	v5 =	vand.u32 $0x1FFFF80, v4  }
0x108: {  	v4 =	vand.u32 $0x7F, v4;
	v2 =	vadd.s32 v2, v5  }
0x109: {  	p0 =	seq.s32 s20, $0x1F;
	v2 =	vor.u32 v4, v2  }
0x10a: {  	s1 =	sadd.s32 @!p0 $0x4, s21  }
0x10b: {  	s6 =	sshll.u32 @!p0 s1, $0x4  }
0x10c: {  	s1 =	sshll.u32 @!p0 s1, $0xA;
	s6 =	sand.u32 @!p0 $0x40, s6  }
0x10d: {  	s9 =	simm.s32 @!p0 $0x400;
	s1 =	sand.u32 @!p0 $0xFFFE000, s1;
	s6 =	sadd.s32 @!p0 s5, s6;
	v4 =	vpop (erf)  }
0x10e: {  	s25 =	simm.s32 @!p0 $0x0;
	s1 =	sadd.s32 @!p0 s1, s6;
	s6 =	simm.s32 @!p0 $0x80;
	[tilespmem:v2+s29+$0x0] =	vst.idx.msk $0xffff, v4  }
0x10f: {  	[tilespmem:s25], [sflag:$0x1] =	stream.strided.gather @!p0 [hbm4b:s1+s6], $0x2000, s9, s6, $0x38;
	[tilespmem:$0x1E100] =	vst v63  }
0x110: {  	s25 =	sshll.u32 s21, $0xB  }
0x111: {  	s1 =	simm.s32 @!p1 $0x2;
	s6 =	sadd.s32 s3, s25  }
0x112: {  	[hbm4b:s6+s4] =	stream.linear.scatter [tilespmem:s29], [sflag:$0x2], $0x4000, $0x38;
	[tilespmem:$0x1E100] =	vst v63  }
0x113: {  	_ =	swait.ge @!p1 [sflag:s1], $0x4000  }
0x114: {  	[sflag:s1] =	ssyncset.done @!p1 $0x0  }
0x115: {  	[sflag:s1] =	ssyncadd.s32 @!p1 $0xFFFFC000  }
0x116: {  	_ =	swait.ge [sflag:s28], $0x2000  }
0x117: {  	[sflag:s28] =	ssyncset.done $0x0  }
0x118: {  	s9 =	simm.s32 $0xC080;
	[sflag:s28] =	ssyncadd.s32 $0xFFFFE000  }
0x119: {  	v15 =	vld [tilespmem:s9+$0x70]  }
0x11a: {  	v2 =	vld [tilespmem:s9+$0xFFFFFF80]  }
0x11b: {  	s26 =	simm.s32 $0x2080;
	v16 =	vld [tilespmem:s9+$0xFFFFFF90]  }
0x11c: {  	v17 =	vld [tilespmem:s26+$0x70]  }
0x11d: {  	v18 =	vld [tilespmem:s9+$0xFFFFFFA0]  }
0x11e: {  	v19 =	vld [tilespmem:s9+$0xFFFFFFB0]  }
0x11f: {  	v20 =	vld [tilespmem:s9+$0xFFFFFFC0]  }
0x120: {  	v21 =	vld [tilespmem:s9+$0xFFFFFFD0]  }
0x121: {  	v22 =	vld [tilespmem:s9+$0xFFFFFFE0]  }
0x122: {  	v23 =	vld [tilespmem:s9+$0xFFFFFFF0]  }
0x123: {  	v24 =	vld [tilespmem:s9+$0x0]  }
0x124: {  	v25 =	vld [tilespmem:s9+$0x10]  }
0x125: {  	v26 =	vld [tilespmem:s9+$0x20]  }
0x126: {  	v7 =	vld [tilespmem:s9+$0x30]  }
0x127: {  	v6 =	vld [tilespmem:s9+$0x40]  }
0x128: {  	v5 =	vld [tilespmem:s9+$0x50]  }
0x129: {  	v4 =	vld [tilespmem:s9+$0x60]  }
0x12a: {  	v1 =	vadd.f32 v3, v1;
	v3 =	vld [tilespmem:s26+$0xFFFFFF90]  }
0x12b: {  	v27 =	vld [tilespmem:s26+$0xFFFFFFA0]  }
0x12c: {  	v1 =	vadd.f32 v8, v1;
	v8 =	vld [tilespmem:s26+$0xFFFFFFB0]  }
0x12d: {  	v28 =	vld [tilespmem:s26+$0xFFFFFFC0]  }
0x12e: {  	v1 =	vadd.f32 v9, v1;
	v9 =	vld [tilespmem:s26+$0xFFFFFFD0];
	[tilespmem:v15+s30+$0x0] =	vst.idx.msk $0xffff, v17  }
0x12f: {  	[tilespmem:v16+s30+$0x0] =	vst.idx.msk $0xffff, v3;
	v3 =	vld [tilespmem:s26+$0xFFFFFFE0]  }
0x130: {  	v1 =	vadd.f32 v10, v1;
	v10 =	vld [tilespmem:s26+$0xFFFFFFF0];
	[tilespmem:v18+s30+$0x0] =	vst.idx.msk $0xffff, v27  }
0x131: {  	v62 =	vld [tilespmem:s26+$0x0];
	[tilespmem:v19+s30+$0x0] =	vst.idx.msk $0xffff, v8  }
0x132: {  	v1 =	vadd.f32 v11, v1;
	v11 =	vld [tilespmem:s26+$0x10];
	[tilespmem:v20+s30+$0x0] =	vst.idx.msk $0xffff, v28  }
0x133: {  	v63 =	vld [tilespmem:s26+$0x20];
	[tilespmem:v21+s30+$0x0] =	vst.idx.msk $0xffff, v9  }
0x134: {  	v1 =	vadd.f32 v12, v1;
	[tilespmem:v22+s30+$0x0] =	vst.idx.msk $0xffff, v3;
	v3 =	vld [tilespmem:s26+$0x30]  }
0x135: {  	[tilespmem:v23+s30+$0x0] =	vst.idx.msk $0xffff, v10;
	v8 =	vld [tilespmem:s26+$0x40]  }
0x136: {  	v1 =	vadd.f32 v13, v1;
	[tilespmem:v24+s30+$0x0] =	vst.idx.msk $0xffff, v62;
	v9 =	vld [tilespmem:s26+$0x50]  }
0x137: {  	[tilespmem:v25+s30+$0x0] =	vst.idx.msk $0xffff, v11;
	v10 =	vld [tilespmem:s26+$0x60]  }
0x138: {  	v1 =	vadd.f32 v14, v1;
	s6 =	simm.s32 $0xC180;
	s1 =	simm.s32 $0x0;
	v11 =	vld [tilespmem:s26+$0xFFFFFF80];
	[tilespmem:v26+s30+$0x0] =	vst.idx.msk $0xffff, v63  }
.LBB2_9:
0x139: {  	v12 =	vld [tilespmem:s6+$0x70];
	s1 =	sadd.s32 $0x10, s1;
	[tilespmem:v7+s30+$0x0] =	vst.idx.msk $0xffff, v3  }
0x13a: {  	v3 =	vld [tilespmem:s6+$0xFFFFFF80];
	p2 =	slt.u32 s1, $0x1E0;
	[tilespmem:v6+s30+$0x0] =	vst.idx.msk $0xffff, v8  }
0x13b: {  	s26 =	sadd.s32 $0x100, s26;
	v8 =	vld [tilespmem:s6+$0xFFFFFF90];
	[tilespmem:v5+s30+$0x0] =	vst.idx.msk $0xffff, v9  }
0x13c: {  	v5 =	vld [tilespmem:s26+$0x70];
	[tilespmem:v4+s30+$0x0] =	vst.idx.msk $0xffff, v10  }
0x13d: {  	v9 =	vld [tilespmem:s6+$0xFFFFFFA0];
	[tilespmem:v2+s30+$0x0] =	vst.idx.msk $0xffff, v11  }
0x13e: {  	v10 =	vld [tilespmem:s6+$0xFFFFFFB0]  }
0x13f: {  	v11 =	vld [tilespmem:s6+$0xFFFFFFC0];
	v2 =	vmov v3  }
0x140: {  	v3 =	vld [tilespmem:s6+$0xFFFFFFD0]  }
0x141: {  	s9 =	simm.s32 $0x0;
	v13 =	vld [tilespmem:s6+$0xFFFFFFE0];
	[tilespmem:v12+s30+$0x0] =	vst.idx.msk $0xffff, v5  }
0x142: {  	v12 =	vld [tilespmem:s6+$0xFFFFFFF0]  }
0x143: {  	v14 =	vld [tilespmem:s6+$0x0]  }
0x144: {  	v15 =	vld [tilespmem:s6+$0x10]  }
0x145: {  	v16 =	vld [tilespmem:s6+$0x20]  }
0x146: {  	v7 =	vld [tilespmem:s6+$0x30]  }
0x147: {  	v6 =	vld [tilespmem:s6+$0x40]  }
0x148: {  	v5 =	vld [tilespmem:s6+$0x50]  }
0x149: {  	v4 =	vld [tilespmem:s6+$0x60]  }
0x14a: {  	v17 =	vld [tilespmem:s26+$0xFFFFFF90]  }
0x14b: {  	v18 =	vld [tilespmem:s26+$0xFFFFFFA0]  }
0x14c: {  	v19 =	vld [tilespmem:s26+$0xFFFFFFB0]  }
0x14d: {  	v20 =	vld [tilespmem:s26+$0xFFFFFFC0]  }
0x14e: {  	v21 =	vld [tilespmem:s26+$0xFFFFFFD0]  }
0x14f: {  	[tilespmem:v8+s30+$0x0] =	vst.idx.msk $0xffff, v17;
	v8 =	vld [tilespmem:s26+$0xFFFFFFE0]  }
0x150: {  	[tilespmem:v9+s30+$0x0] =	vst.idx.msk $0xffff, v18;
	v9 =	vld [tilespmem:s26+$0xFFFFFFF0]  }
0x151: {  	[tilespmem:v10+s30+$0x0] =	vst.idx.msk $0xffff, v19;
	v10 =	vld [tilespmem:s26+$0x0]  }
0x152: {  	[tilespmem:v11+s30+$0x0] =	vst.idx.msk $0xffff, v20;
	v11 =	vld [tilespmem:s26+$0x10]  }
0x153: {  	[tilespmem:v3+s30+$0x0] =	vst.idx.msk $0xffff, v21;
	v17 =	vld [tilespmem:s26+$0x20]  }
.Ltmp3:
0x154: {  	[tilespmem:v13+s30+$0x0] =	vst.idx.msk $0xffff, v8;
	v3 =	vld [tilespmem:s26+$0x30];
	(pc) =	sbr.rel @p2 .LBB2_9-.Ltmp3, $4  }
0x155: {  	[tilespmem:v12+s30+$0x0] =	vst.idx.msk $0xffff, v9;
	v8 =	vld [tilespmem:s26+$0x40]  }
0x156: {  	[tilespmem:v14+s30+$0x0] =	vst.idx.msk $0xffff, v10;
	v9 =	vld [tilespmem:s26+$0x50]  }
0x157: {  	[tilespmem:v15+s30+$0x0] =	vst.idx.msk $0xffff, v11;
	v10 =	vld [tilespmem:s26+$0x60]  }
0x158: {  	s6 =	sadd.s32 $0x100, s6;
	v11 =	vld [tilespmem:s26+$0xFFFFFF80];
	[tilespmem:v16+s30+$0x0] =	vst.idx.msk $0xffff, v17  }
0x159: {  	_ =	sdelay $0x3  }
0x15a: {  	[tilespmem:v7+s30+$0x0] =	vst.idx.msk $0xffff, v3  }
0x15b: {  	[tilespmem:v6+s30+$0x0] =	vst.idx.msk $0xffff, v8  }
0x15c: {  	[tilespmem:v5+s30+$0x0] =	vst.idx.msk $0xffff, v9  }
0x15d: {  	[tilespmem:v4+s30+$0x0] =	vst.idx.msk $0xffff, v10  }
0x15e: {  	[tilespmem:v2+s30+$0x0] =	vst.idx.msk $0xffff, v11  }
.LBB2_11:
0x15f: {  	s1 =	sshra.s32 s9, $0x2  }
0x160: {  	v2 =	vld [tilespmem:s1+$0xDF00];
	_ =	sdelay $0x2  }
0x161: {  	p2 =	sne.s32 s9, $0x2C0;
	v3 =	vld [tilespmem:s1+$0x3F00]  }
.Ltmp4:
0x162: {  	_ = 	snop;
	(pc) =	sbr.rel @p2 .LBB2_11-.Ltmp4, $2  }
0x163: {  	_ =	sdelay $0x2  }
0x164: {  	s9 =	sadd.s32 $0x40, s9;
	[tilespmem:v2+s30+$0x0] =	vst.idx.msk $0xffff, v3  }
0x165: {  	v3 =	vld [tilespmem:s24+$0x8080];
	_ =	sdelay $0x3  }
0x166: {  	v2 =	vld [tilespmem:$0xE000]  }
0x167: {  	v4 =	vmul.f32 $1.442695020e+00, v3;
	_ =	sdelay $0x1  }
0x168: {  	(erf) = vpow2.f32 v4;
	_ =	sdelay $0x1  }
0x169: {  	v4 =	vshrl.u32 v2, $0x7  }
0x16a: {  	v2 =	vand.u32 $0xFFFFFF80, v2;
	v5 =	vand.u32 $0x1FFFF80, v4  }
0x16b: {  	v4 =	vand.u32 $0x7F, v4;
	v2 =	vadd.s32 v2, v5  }
0x16c: {  	v2 =	vor.u32 v4, v2;
	_ =	sdelay $0x3  }
0x16d: {  	v4 =	vpop (erf)  }
0x16e: {  	[tilespmem:v2+s30+$0x0] =	vst.idx.msk $0xffff, v4  }
0x16f: {  	v8 =	vld [tilespmem:s24+$0x8090];
	_ =	sdelay $0x3  }
0x170: {  	v2 =	vld [tilespmem:$0xE010]  }
0x171: {  	v4 =	vmul.f32 $1.442695020e+00, v8;
	_ =	sdelay $0x1  }
0x172: {  	(erf) = vpow2.f32 v4;
	_ =	sdelay $0x1  }
0x173: {  	v4 =	vshrl.u32 v2, $0x7  }
0x174: {  	v2 =	vand.u32 $0xFFFFFF80, v2;
	v5 =	vand.u32 $0x1FFFF80, v4  }
0x175: {  	v4 =	vand.u32 $0x7F, v4;
	v2 =	vadd.s32 v2, v5  }
0x176: {  	v2 =	vor.u32 v4, v2;
	_ =	sdelay $0x3  }
0x177: {  	v4 =	vpop (erf)  }
0x178: {  	[tilespmem:v2+s30+$0x0] =	vst.idx.msk $0xffff, v4  }
0x179: {  	v9 =	vld [tilespmem:s24+$0x80A0];
	_ =	sdelay $0x3  }
0x17a: {  	v2 =	vld [tilespmem:$0xE020]  }
0x17b: {  	v4 =	vmul.f32 $1.442695020e+00, v9;
	_ =	sdelay $0x1  }
0x17c: {  	(erf) = vpow2.f32 v4;
	_ =	sdelay $0x1  }
0x17d: {  	v4 =	vshrl.u32 v2, $0x7  }
0x17e: {  	v2 =	vand.u32 $0xFFFFFF80, v2;
	v5 =	vand.u32 $0x1FFFF80, v4  }
0x17f: {  	v4 =	vand.u32 $0x7F, v4;
	v2 =	vadd.s32 v2, v5  }
0x180: {  	v2 =	vor.u32 v4, v2;
	_ =	sdelay $0x3  }
0x181: {  	v4 =	vpop (erf)  }
0x182: {  	[tilespmem:v2+s30+$0x0] =	vst.idx.msk $0xffff, v4  }
0x183: {  	v10 =	vld [tilespmem:s24+$0x80B0];
	_ =	sdelay $0x3  }
0x184: {  	v2 =	vld [tilespmem:$0xE030]  }
0x185: {  	v4 =	vmul.f32 $1.442695020e+00, v10;
	_ =	sdelay $0x1  }
0x186: {  	(erf) = vpow2.f32 v4;
	_ =	sdelay $0x1  }
0x187: {  	v4 =	vshrl.u32 v2, $0x7  }
0x188: {  	v2 =	vand.u32 $0xFFFFFF80, v2;
	v5 =	vand.u32 $0x1FFFF80, v4  }
0x189: {  	v4 =	vand.u32 $0x7F, v4;
	v2 =	vadd.s32 v2, v5  }
0x18a: {  	v2 =	vor.u32 v4, v2;
	_ =	sdelay $0x3  }
0x18b: {  	v4 =	vpop (erf)  }
0x18c: {  	[tilespmem:v2+s30+$0x0] =	vst.idx.msk $0xffff, v4  }
0x18d: {  	v11 =	vld [tilespmem:s24+$0x80C0];
	_ =	sdelay $0x3  }
0x18e: {  	v2 =	vld [tilespmem:$0xE040]  }
0x18f: {  	v4 =	vmul.f32 $1.442695020e+00, v11;
	_ =	sdelay $0x1  }
0x190: {  	(erf) = vpow2.f32 v4;
	_ =	sdelay $0x1  }
0x191: {  	v4 =	vshrl.u32 v2, $0x7  }
0x192: {  	v2 =	vand.u32 $0xFFFFFF80, v2;
	v5 =	vand.u32 $0x1FFFF80, v4  }
0x193: {  	v4 =	vand.u32 $0x7F, v4;
	v2 =	vadd.s32 v2, v5  }
0x194: {  	v2 =	vor.u32 v4, v2;
	_ =	sdelay $0x3  }
0x195: {  	v4 =	vpop (erf)  }
0x196: {  	[tilespmem:v2+s30+$0x0] =	vst.idx.msk $0xffff, v4  }
0x197: {  	v12 =	vld [tilespmem:s24+$0x80D0];
	_ =	sdelay $0x3  }
0x198: {  	v2 =	vld [tilespmem:$0xE050]  }
0x199: {  	v4 =	vmul.f32 $1.442695020e+00, v12;
	_ =	sdelay $0x1  }
0x19a: {  	(erf) = vpow2.f32 v4;
	_ =	sdelay $0x1  }
0x19b: {  	v4 =	vshrl.u32 v2, $0x7  }
0x19c: {  	v2 =	vand.u32 $0xFFFFFF80, v2;
	v5 =	vand.u32 $0x1FFFF80, v4  }
0x19d: {  	v4 =	vand.u32 $0x7F, v4;
	v2 =	vadd.s32 v2, v5  }
0x19e: {  	v2 =	vor.u32 v4, v2;
	_ =	sdelay $0x3  }
0x19f: {  	v4 =	vpop (erf)  }
0x1a0: {  	[tilespmem:v2+s30+$0x0] =	vst.idx.msk $0xffff, v4  }
0x1a1: {  	v13 =	vld [tilespmem:s24+$0x80E0];
	_ =	sdelay $0x3  }
0x1a2: {  	v2 =	vld [tilespmem:$0xE060]  }
0x1a3: {  	v4 =	vmul.f32 $1.442695020e+00, v13;
	_ =	sdelay $0x1  }
0x1a4: {  	(erf) = vpow2.f32 v4;
	_ =	sdelay $0x1  }
0x1a5: {  	v4 =	vshrl.u32 v2, $0x7  }
0x1a6: {  	v2 =	vand.u32 $0xFFFFFF80, v2;
	v5 =	vand.u32 $0x1FFFF80, v4  }
0x1a7: {  	v4 =	vand.u32 $0x7F, v4;
	v2 =	vadd.s32 v2, v5  }
0x1a8: {  	v2 =	vor.u32 v4, v2;
	_ =	sdelay $0x3  }
0x1a9: {  	v4 =	vpop (erf)  }
0x1aa: {  	[tilespmem:v2+s30+$0x0] =	vst.idx.msk $0xffff, v4  }
0x1ab: {  	v14 =	vld [tilespmem:s24+$0x80F0];
	_ =	sdelay $0x3  }
0x1ac: {  	v2 =	vld [tilespmem:$0xE070]  }
0x1ad: {  	v4 =	vmul.f32 $1.442695020e+00, v14;
	_ =	sdelay $0x1  }
0x1ae: {  	(erf) = vpow2.f32 v4;
	_ =	sdelay $0x1  }
0x1af: {  	v4 =	vshrl.u32 v2, $0x7  }
0x1b0: {  	v2 =	vand.u32 $0xFFFFFF80, v2;
	v5 =	vand.u32 $0x1FFFF80, v4  }
0x1b1: {  	v4 =	vand.u32 $0x7F, v4;
	v2 =	vadd.s32 v2, v5  }
0x1b2: {  	v2 =	vor.u32 v4, v2  }
0x1b3: {  	s1 =	sadd.s32 @!p0 $0x5, s21  }
0x1b4: {  	s6 =	sshll.u32 @!p0 s1, $0x4  }
0x1b5: {  	s1 =	sshll.u32 @!p0 s1, $0xA;
	s6 =	sand.u32 @!p0 $0x50, s6  }
0x1b6: {  	s9 =	simm.s32 @!p0 $0x400;
	s1 =	sand.u32 @!p0 $0xFFFE000, s1;
	s6 =	sadd.s32 @!p0 s5, s6;
	v4 =	vpop (erf)  }
0x1b7: {  	s26 =	simm.s32 @!p0 $0x2000;
	s1 =	sadd.s32 @!p0 s1, s6;
	s6 =	simm.s32 @!p0 $0x80;
	[tilespmem:v2+s30+$0x0] =	vst.idx.msk $0xffff, v4  }
0x1b8: {  	[tilespmem:s26], [sflag:$0x1] =	stream.strided.gather @!p0 [hbm4b:s1+s6], $0x2000, s9, s6, $0x38;
	[tilespmem:$0x1E100] =	vst v63  }
0x1b9: {  	s6 =	sadd.s32 s25, s13;
	s1 =	simm.s32 @!p1 $0x2  }
0x1ba: {  	[hbm4b:s6+s4] =	stream.linear.scatter [tilespmem:s30], [sflag:$0x2], $0x4000, $0x38;
	[tilespmem:$0x1E100] =	vst v63  }
0x1bb: {  	_ =	swait.ge @!p1 [sflag:s1], $0x4000  }
0x1bc: {  	[sflag:s1] =	ssyncset.done @!p1 $0x0  }
0x1bd: {  	[sflag:s1] =	ssyncadd.s32 @!p1 $0xFFFFC000  }
0x1be: {  	_ =	swait.ge [sflag:s28], $0x2000  }
0x1bf: {  	[sflag:s28] =	ssyncset.done $0x0  }
0x1c0: {  	s9 =	simm.s32 $0xC080;
	[sflag:s28] =	ssyncadd.s32 $0xFFFFE000  }
0x1c1: {  	v15 =	vld [tilespmem:s9+$0x70]  }
0x1c2: {  	v2 =	vld [tilespmem:s9+$0xFFFFFF80]  }
0x1c3: {  	s26 =	simm.s32 $0x4080;
	v16 =	vld [tilespmem:s9+$0xFFFFFF90]  }
0x1c4: {  	v17 =	vld [tilespmem:s26+$0x70]  }
0x1c5: {  	v18 =	vld [tilespmem:s9+$0xFFFFFFA0]  }
0x1c6: {  	v19 =	vld [tilespmem:s9+$0xFFFFFFB0]  }
0x1c7: {  	v20 =	vld [tilespmem:s9+$0xFFFFFFC0]  }
0x1c8: {  	v21 =	vld [tilespmem:s9+$0xFFFFFFD0]  }
0x1c9: {  	v22 =	vld [tilespmem:s9+$0xFFFFFFE0]  }
0x1ca: {  	v23 =	vld [tilespmem:s9+$0xFFFFFFF0]  }
0x1cb: {  	v24 =	vld [tilespmem:s9+$0x0]  }
0x1cc: {  	v25 =	vld [tilespmem:s9+$0x10]  }
0x1cd: {  	v26 =	vld [tilespmem:s9+$0x20]  }
0x1ce: {  	v7 =	vld [tilespmem:s9+$0x30]  }
0x1cf: {  	v6 =	vld [tilespmem:s9+$0x40]  }
0x1d0: {  	v5 =	vld [tilespmem:s9+$0x50]  }
0x1d1: {  	v4 =	vld [tilespmem:s9+$0x60]  }
0x1d2: {  	v1 =	vadd.f32 v3, v1;
	v3 =	vld [tilespmem:s26+$0xFFFFFF90]  }
0x1d3: {  	v27 =	vld [tilespmem:s26+$0xFFFFFFA0]  }
0x1d4: {  	v1 =	vadd.f32 v8, v1;
	v8 =	vld [tilespmem:s26+$0xFFFFFFB0]  }
0x1d5: {  	v28 =	vld [tilespmem:s26+$0xFFFFFFC0]  }
0x1d6: {  	v1 =	vadd.f32 v9, v1;
	v9 =	vld [tilespmem:s26+$0xFFFFFFD0];
	[tilespmem:v15+s31+$0x0] =	vst.idx.msk $0xffff, v17  }
0x1d7: {  	[tilespmem:v16+s31+$0x0] =	vst.idx.msk $0xffff, v3;
	v3 =	vld [tilespmem:s26+$0xFFFFFFE0]  }
0x1d8: {  	v1 =	vadd.f32 v10, v1;
	v10 =	vld [tilespmem:s26+$0xFFFFFFF0];
	[tilespmem:v18+s31+$0x0] =	vst.idx.msk $0xffff, v27  }
0x1d9: {  	v62 =	vld [tilespmem:s26+$0x0];
	[tilespmem:v19+s31+$0x0] =	vst.idx.msk $0xffff, v8  }
0x1da: {  	v1 =	vadd.f32 v11, v1;
	v11 =	vld [tilespmem:s26+$0x10];
	[tilespmem:v20+s31+$0x0] =	vst.idx.msk $0xffff, v28  }
0x1db: {  	v63 =	vld [tilespmem:s26+$0x20];
	[tilespmem:v21+s31+$0x0] =	vst.idx.msk $0xffff, v9  }
0x1dc: {  	v1 =	vadd.f32 v12, v1;
	[tilespmem:v22+s31+$0x0] =	vst.idx.msk $0xffff, v3;
	v3 =	vld [tilespmem:s26+$0x30]  }
0x1dd: {  	[tilespmem:v23+s31+$0x0] =	vst.idx.msk $0xffff, v10;
	v8 =	vld [tilespmem:s26+$0x40]  }
0x1de: {  	v1 =	vadd.f32 v13, v1;
	[tilespmem:v24+s31+$0x0] =	vst.idx.msk $0xffff, v62;
	v9 =	vld [tilespmem:s26+$0x50]  }
0x1df: {  	[tilespmem:v25+s31+$0x0] =	vst.idx.msk $0xffff, v11;
	v10 =	vld [tilespmem:s26+$0x60]  }
0x1e0: {  	v1 =	vadd.f32 v14, v1;
	s6 =	simm.s32 $0xC180;
	s1 =	simm.s32 $0x0;
	v11 =	vld [tilespmem:s26+$0xFFFFFF80];
	[tilespmem:v26+s31+$0x0] =	vst.idx.msk $0xffff, v63  }
.LBB2_13:
0x1e1: {  	v12 =	vld [tilespmem:s6+$0x70];
	s1 =	sadd.s32 $0x10, s1;
	[tilespmem:v7+s31+$0x0] =	vst.idx.msk $0xffff, v3  }
0x1e2: {  	v3 =	vld [tilespmem:s6+$0xFFFFFF80];
	p2 =	slt.u32 s1, $0x1E0;
	[tilespmem:v6+s31+$0x0] =	vst.idx.msk $0xffff, v8  }
0x1e3: {  	s26 =	sadd.s32 $0x100, s26;
	v8 =	vld [tilespmem:s6+$0xFFFFFF90];
	[tilespmem:v5+s31+$0x0] =	vst.idx.msk $0xffff, v9  }
0x1e4: {  	v5 =	vld [tilespmem:s26+$0x70];
	[tilespmem:v4+s31+$0x0] =	vst.idx.msk $0xffff, v10  }
0x1e5: {  	v9 =	vld [tilespmem:s6+$0xFFFFFFA0];
	[tilespmem:v2+s31+$0x0] =	vst.idx.msk $0xffff, v11  }
0x1e6: {  	v10 =	vld [tilespmem:s6+$0xFFFFFFB0]  }
0x1e7: {  	v11 =	vld [tilespmem:s6+$0xFFFFFFC0];
	v2 =	vmov v3  }
0x1e8: {  	v3 =	vld [tilespmem:s6+$0xFFFFFFD0]  }
0x1e9: {  	s9 =	simm.s32 $0x0;
	v13 =	vld [tilespmem:s6+$0xFFFFFFE0];
	[tilespmem:v12+s31+$0x0] =	vst.idx.msk $0xffff, v5  }
0x1ea: {  	v12 =	vld [tilespmem:s6+$0xFFFFFFF0]  }
0x1eb: {  	v14 =	vld [tilespmem:s6+$0x0]  }
0x1ec: {  	v15 =	vld [tilespmem:s6+$0x10]  }
0x1ed: {  	v16 =	vld [tilespmem:s6+$0x20]  }
0x1ee: {  	v7 =	vld [tilespmem:s6+$0x30]  }
0x1ef: {  	v6 =	vld [tilespmem:s6+$0x40]  }
0x1f0: {  	v5 =	vld [tilespmem:s6+$0x50]  }
0x1f1: {  	v4 =	vld [tilespmem:s6+$0x60]  }
0x1f2: {  	v17 =	vld [tilespmem:s26+$0xFFFFFF90]  }
0x1f3: {  	v18 =	vld [tilespmem:s26+$0xFFFFFFA0]  }
0x1f4: {  	v19 =	vld [tilespmem:s26+$0xFFFFFFB0]  }
0x1f5: {  	v20 =	vld [tilespmem:s26+$0xFFFFFFC0]  }
0x1f6: {  	v21 =	vld [tilespmem:s26+$0xFFFFFFD0]  }
0x1f7: {  	[tilespmem:v8+s31+$0x0] =	vst.idx.msk $0xffff, v17;
	v8 =	vld [tilespmem:s26+$0xFFFFFFE0]  }
0x1f8: {  	[tilespmem:v9+s31+$0x0] =	vst.idx.msk $0xffff, v18;
	v9 =	vld [tilespmem:s26+$0xFFFFFFF0]  }
0x1f9: {  	[tilespmem:v10+s31+$0x0] =	vst.idx.msk $0xffff, v19;
	v10 =	vld [tilespmem:s26+$0x0]  }
0x1fa: {  	[tilespmem:v11+s31+$0x0] =	vst.idx.msk $0xffff, v20;
	v11 =	vld [tilespmem:s26+$0x10]  }
0x1fb: {  	[tilespmem:v3+s31+$0x0] =	vst.idx.msk $0xffff, v21;
	v17 =	vld [tilespmem:s26+$0x20]  }
.Ltmp5:
0x1fc: {  	[tilespmem:v13+s31+$0x0] =	vst.idx.msk $0xffff, v8;
	v3 =	vld [tilespmem:s26+$0x30];
	(pc) =	sbr.rel @p2 .LBB2_13-.Ltmp5, $4  }
0x1fd: {  	[tilespmem:v12+s31+$0x0] =	vst.idx.msk $0xffff, v9;
	v8 =	vld [tilespmem:s26+$0x40]  }
0x1fe: {  	[tilespmem:v14+s31+$0x0] =	vst.idx.msk $0xffff, v10;
	v9 =	vld [tilespmem:s26+$0x50]  }
0x1ff: {  	[tilespmem:v15+s31+$0x0] =	vst.idx.msk $0xffff, v11;
	v10 =	vld [tilespmem:s26+$0x60]  }
0x200: {  	s6 =	sadd.s32 $0x100, s6;
	v11 =	vld [tilespmem:s26+$0xFFFFFF80];
	[tilespmem:v16+s31+$0x0] =	vst.idx.msk $0xffff, v17  }
0x201: {  	_ =	sdelay $0x3  }
0x202: {  	[tilespmem:v7+s31+$0x0] =	vst.idx.msk $0xffff, v3  }
0x203: {  	[tilespmem:v6+s31+$0x0] =	vst.idx.msk $0xffff, v8  }
0x204: {  	[tilespmem:v5+s31+$0x0] =	vst.idx.msk $0xffff, v9  }
0x205: {  	[tilespmem:v4+s31+$0x0] =	vst.idx.msk $0xffff, v10  }
0x206: {  	[tilespmem:v2+s31+$0x0] =	vst.idx.msk $0xffff, v11  }
.LBB2_15:
0x207: {  	s1 =	sshra.s32 s9, $0x2  }
0x208: {  	v2 =	vld [tilespmem:s1+$0xDF00];
	_ =	sdelay $0x2  }
0x209: {  	p2 =	sne.s32 s9, $0x2C0;
	v3 =	vld [tilespmem:s1+$0x5F00]  }
.Ltmp6:
0x20a: {  	_ = 	snop;
	(pc) =	sbr.rel @p2 .LBB2_15-.Ltmp6, $2  }
0x20b: {  	_ =	sdelay $0x2  }
0x20c: {  	s9 =	sadd.s32 $0x40, s9;
	[tilespmem:v2+s31+$0x0] =	vst.idx.msk $0xffff, v3  }
0x20d: {  	v3 =	vld [tilespmem:s24+$0x8100];
	_ =	sdelay $0x3  }
0x20e: {  	v2 =	vld [tilespmem:$0xE000]  }
0x20f: {  	v4 =	vmul.f32 $1.442695020e+00, v3;
	_ =	sdelay $0x1  }
0x210: {  	(erf) = vpow2.f32 v4;
	_ =	sdelay $0x1  }
0x211: {  	v4 =	vshrl.u32 v2, $0x7  }
0x212: {  	v2 =	vand.u32 $0xFFFFFF80, v2;
	v5 =	vand.u32 $0x1FFFF80, v4  }
0x213: {  	v4 =	vand.u32 $0x7F, v4;
	v2 =	vadd.s32 v2, v5  }
0x214: {  	v2 =	vor.u32 v4, v2;
	_ =	sdelay $0x3  }
0x215: {  	v4 =	vpop (erf)  }
0x216: {  	[tilespmem:v2+s31+$0x0] =	vst.idx.msk $0xffff, v4  }
0x217: {  	v8 =	vld [tilespmem:s24+$0x8110];
	_ =	sdelay $0x3  }
0x218: {  	v2 =	vld [tilespmem:$0xE010]  }
0x219: {  	v4 =	vmul.f32 $1.442695020e+00, v8;
	_ =	sdelay $0x1  }
0x21a: {  	(erf) = vpow2.f32 v4;
	_ =	sdelay $0x1  }
0x21b: {  	v4 =	vshrl.u32 v2, $0x7  }
0x21c: {  	v2 =	vand.u32 $0xFFFFFF80, v2;
	v5 =	vand.u32 $0x1FFFF80, v4  }
0x21d: {  	v4 =	vand.u32 $0x7F, v4;
	v2 =	vadd.s32 v2, v5  }
0x21e: {  	v2 =	vor.u32 v4, v2;
	_ =	sdelay $0x3  }
0x21f: {  	v4 =	vpop (erf)  }
0x220: {  	[tilespmem:v2+s31+$0x0] =	vst.idx.msk $0xffff, v4  }
0x221: {  	v9 =	vld [tilespmem:s24+$0x8120];
	_ =	sdelay $0x3  }
0x222: {  	v2 =	vld [tilespmem:$0xE020]  }
0x223: {  	v4 =	vmul.f32 $1.442695020e+00, v9;
	_ =	sdelay $0x1  }
0x224: {  	(erf) = vpow2.f32 v4;
	_ =	sdelay $0x1  }
0x225: {  	v4 =	vshrl.u32 v2, $0x7  }
0x226: {  	v2 =	vand.u32 $0xFFFFFF80, v2;
	v5 =	vand.u32 $0x1FFFF80, v4  }
0x227: {  	v4 =	vand.u32 $0x7F, v4;
	v2 =	vadd.s32 v2, v5  }
0x228: {  	v2 =	vor.u32 v4, v2;
	_ =	sdelay $0x3  }
0x229: {  	v4 =	vpop (erf)  }
0x22a: {  	[tilespmem:v2+s31+$0x0] =	vst.idx.msk $0xffff, v4  }
0x22b: {  	v10 =	vld [tilespmem:s24+$0x8130];
	_ =	sdelay $0x3  }
0x22c: {  	v2 =	vld [tilespmem:$0xE030]  }
0x22d: {  	v4 =	vmul.f32 $1.442695020e+00, v10;
	_ =	sdelay $0x1  }
0x22e: {  	(erf) = vpow2.f32 v4;
	_ =	sdelay $0x1  }
0x22f: {  	v4 =	vshrl.u32 v2, $0x7  }
0x230: {  	v2 =	vand.u32 $0xFFFFFF80, v2;
	v5 =	vand.u32 $0x1FFFF80, v4  }
0x231: {  	v4 =	vand.u32 $0x7F, v4;
	v2 =	vadd.s32 v2, v5  }
0x232: {  	v2 =	vor.u32 v4, v2;
	_ =	sdelay $0x3  }
0x233: {  	v4 =	vpop (erf)  }
0x234: {  	[tilespmem:v2+s31+$0x0] =	vst.idx.msk $0xffff, v4  }
0x235: {  	v11 =	vld [tilespmem:s24+$0x8140];
	_ =	sdelay $0x3  }
0x236: {  	v2 =	vld [tilespmem:$0xE040]  }
0x237: {  	v4 =	vmul.f32 $1.442695020e+00, v11;
	_ =	sdelay $0x1  }
0x238: {  	(erf) = vpow2.f32 v4;
	_ =	sdelay $0x1  }
0x239: {  	v4 =	vshrl.u32 v2, $0x7  }
0x23a: {  	v2 =	vand.u32 $0xFFFFFF80, v2;
	v5 =	vand.u32 $0x1FFFF80, v4  }
0x23b: {  	v4 =	vand.u32 $0x7F, v4;
	v2 =	vadd.s32 v2, v5  }
0x23c: {  	v2 =	vor.u32 v4, v2;
	_ =	sdelay $0x3  }
0x23d: {  	v4 =	vpop (erf)  }
0x23e: {  	[tilespmem:v2+s31+$0x0] =	vst.idx.msk $0xffff, v4  }
0x23f: {  	v12 =	vld [tilespmem:s24+$0x8150];
	_ =	sdelay $0x3  }
0x240: {  	v2 =	vld [tilespmem:$0xE050]  }
0x241: {  	v4 =	vmul.f32 $1.442695020e+00, v12;
	_ =	sdelay $0x1  }
0x242: {  	(erf) = vpow2.f32 v4;
	_ =	sdelay $0x1  }
0x243: {  	v4 =	vshrl.u32 v2, $0x7  }
0x244: {  	v2 =	vand.u32 $0xFFFFFF80, v2;
	v5 =	vand.u32 $0x1FFFF80, v4  }
0x245: {  	v4 =	vand.u32 $0x7F, v4;
	v2 =	vadd.s32 v2, v5  }
0x246: {  	v2 =	vor.u32 v4, v2;
	_ =	sdelay $0x3  }
0x247: {  	v4 =	vpop (erf)  }
0x248: {  	[tilespmem:v2+s31+$0x0] =	vst.idx.msk $0xffff, v4  }
0x249: {  	v13 =	vld [tilespmem:s24+$0x8160];
	_ =	sdelay $0x3  }
0x24a: {  	v2 =	vld [tilespmem:$0xE060]  }
0x24b: {  	v4 =	vmul.f32 $1.442695020e+00, v13;
	_ =	sdelay $0x1  }
0x24c: {  	(erf) = vpow2.f32 v4;
	_ =	sdelay $0x1  }
0x24d: {  	v4 =	vshrl.u32 v2, $0x7  }
0x24e: {  	v2 =	vand.u32 $0xFFFFFF80, v2;
	v5 =	vand.u32 $0x1FFFF80, v4  }
0x24f: {  	v4 =	vand.u32 $0x7F, v4;
	v2 =	vadd.s32 v2, v5  }
0x250: {  	v2 =	vor.u32 v4, v2;
	_ =	sdelay $0x3  }
0x251: {  	v4 =	vpop (erf)  }
0x252: {  	[tilespmem:v2+s31+$0x0] =	vst.idx.msk $0xffff, v4  }
0x253: {  	v14 =	vld [tilespmem:s24+$0x8170];
	_ =	sdelay $0x3  }
0x254: {  	v2 =	vld [tilespmem:$0xE070]  }
0x255: {  	v4 =	vmul.f32 $1.442695020e+00, v14;
	_ =	sdelay $0x1  }
0x256: {  	(erf) = vpow2.f32 v4;
	_ =	sdelay $0x1  }
0x257: {  	v4 =	vshrl.u32 v2, $0x7  }
0x258: {  	v2 =	vand.u32 $0xFFFFFF80, v2;
	v5 =	vand.u32 $0x1FFFF80, v4  }
0x259: {  	v4 =	vand.u32 $0x7F, v4;
	v2 =	vadd.s32 v2, v5  }
0x25a: {  	v2 =	vor.u32 v4, v2  }
0x25b: {  	s1 =	sadd.s32 @!p0 $0x6, s21  }
0x25c: {  	s6 =	sshll.u32 @!p0 s1, $0x4  }
0x25d: {  	s1 =	sshll.u32 @!p0 s1, $0xA;
	s6 =	sand.u32 @!p0 $0x60, s6  }
0x25e: {  	s9 =	simm.s32 @!p0 $0x400;
	s1 =	sand.u32 @!p0 $0xFFFE000, s1;
	s6 =	sadd.s32 @!p0 s5, s6;
	v4 =	vpop (erf)  }
0x25f: {  	s26 =	simm.s32 @!p0 $0x4000;
	s1 =	sadd.s32 @!p0 s1, s6;
	s6 =	simm.s32 @!p0 $0x80;
	[tilespmem:v2+s31+$0x0] =	vst.idx.msk $0xffff, v4  }
0x260: {  	[tilespmem:s26], [sflag:$0x1] =	stream.strided.gather @!p0 [hbm4b:s1+s6], $0x2000, s9, s6, $0x38;
	[tilespmem:$0x1E100] =	vst v63  }
0x261: {  	s6 =	sadd.s32 s25, s14;
	s1 =	simm.s32 @!p1 $0x2  }
0x262: {  	[hbm4b:s6+s4] =	stream.linear.scatter [tilespmem:s31], [sflag:$0x2], $0x4000, $0x38;
	[tilespmem:$0x1E100] =	vst v63  }
0x263: {  	_ =	swait.ge @!p1 [sflag:s1], $0x4000  }
0x264: {  	[sflag:s1] =	ssyncset.done @!p1 $0x0  }
0x265: {  	[sflag:s1] =	ssyncadd.s32 @!p1 $0xFFFFC000  }
0x266: {  	_ =	swait.ge [sflag:s28], $0x2000  }
0x267: {  	[sflag:s28] =	ssyncset.done $0x0  }
0x268: {  	s9 =	simm.s32 $0xC080;
	[sflag:s28] =	ssyncadd.s32 $0xFFFFE000  }
0x269: {  	v15 =	vld [tilespmem:s9+$0x70]  }
0x26a: {  	v2 =	vld [tilespmem:s9+$0xFFFFFF80]  }
0x26b: {  	s26 =	simm.s32 $0x6080;
	v16 =	vld [tilespmem:s9+$0xFFFFFF90]  }
0x26c: {  	v17 =	vld [tilespmem:s26+$0x70]  }
0x26d: {  	v18 =	vld [tilespmem:s9+$0xFFFFFFA0]  }
0x26e: {  	v19 =	vld [tilespmem:s9+$0xFFFFFFB0]  }
0x26f: {  	v20 =	vld [tilespmem:s9+$0xFFFFFFC0]  }
0x270: {  	v21 =	vld [tilespmem:s9+$0xFFFFFFD0]  }
0x271: {  	v22 =	vld [tilespmem:s9+$0xFFFFFFE0]  }
0x272: {  	v23 =	vld [tilespmem:s9+$0xFFFFFFF0]  }
0x273: {  	v24 =	vld [tilespmem:s9+$0x0]  }
0x274: {  	v25 =	vld [tilespmem:s9+$0x10]  }
0x275: {  	v26 =	vld [tilespmem:s9+$0x20]  }
0x276: {  	v7 =	vld [tilespmem:s9+$0x30]  }
0x277: {  	v6 =	vld [tilespmem:s9+$0x40]  }
0x278: {  	v5 =	vld [tilespmem:s9+$0x50]  }
0x279: {  	v4 =	vld [tilespmem:s9+$0x60]  }
0x27a: {  	v1 =	vadd.f32 v3, v1;
	v3 =	vld [tilespmem:s26+$0xFFFFFF90]  }
0x27b: {  	v27 =	vld [tilespmem:s26+$0xFFFFFFA0]  }
0x27c: {  	v1 =	vadd.f32 v8, v1;
	v8 =	vld [tilespmem:s26+$0xFFFFFFB0]  }
0x27d: {  	v28 =	vld [tilespmem:s26+$0xFFFFFFC0]  }
0x27e: {  	v1 =	vadd.f32 v9, v1;
	v9 =	vld [tilespmem:s26+$0xFFFFFFD0];
	[tilespmem:v15+s0+$0x0] =	vst.idx.msk $0xffff, v17  }
0x27f: {  	[tilespmem:v16+s0+$0x0] =	vst.idx.msk $0xffff, v3;
	v3 =	vld [tilespmem:s26+$0xFFFFFFE0]  }
0x280: {  	v1 =	vadd.f32 v10, v1;
	v10 =	vld [tilespmem:s26+$0xFFFFFFF0];
	[tilespmem:v18+s0+$0x0] =	vst.idx.msk $0xffff, v27  }
0x281: {  	v62 =	vld [tilespmem:s26+$0x0];
	[tilespmem:v19+s0+$0x0] =	vst.idx.msk $0xffff, v8  }
0x282: {  	v1 =	vadd.f32 v11, v1;
	v11 =	vld [tilespmem:s26+$0x10];
	[tilespmem:v20+s0+$0x0] =	vst.idx.msk $0xffff, v28  }
0x283: {  	v63 =	vld [tilespmem:s26+$0x20];
	[tilespmem:v21+s0+$0x0] =	vst.idx.msk $0xffff, v9  }
0x284: {  	v1 =	vadd.f32 v12, v1;
	[tilespmem:v22+s0+$0x0] =	vst.idx.msk $0xffff, v3;
	v3 =	vld [tilespmem:s26+$0x30]  }
0x285: {  	[tilespmem:v23+s0+$0x0] =	vst.idx.msk $0xffff, v10;
	v8 =	vld [tilespmem:s26+$0x40]  }
0x286: {  	v1 =	vadd.f32 v13, v1;
	[tilespmem:v24+s0+$0x0] =	vst.idx.msk $0xffff, v62;
	v9 =	vld [tilespmem:s26+$0x50]  }
0x287: {  	[tilespmem:v25+s0+$0x0] =	vst.idx.msk $0xffff, v11;
	v10 =	vld [tilespmem:s26+$0x60]  }
0x288: {  	v1 =	vadd.f32 v14, v1;
	s6 =	simm.s32 $0xC180;
	s1 =	simm.s32 $0x0;
	v11 =	vld [tilespmem:s26+$0xFFFFFF80];
	[tilespmem:v26+s0+$0x0] =	vst.idx.msk $0xffff, v63  }
.LBB2_17:
0x289: {  	v12 =	vld [tilespmem:s6+$0x70];
	s1 =	sadd.s32 $0x10, s1;
	[tilespmem:v7+s0+$0x0] =	vst.idx.msk $0xffff, v3  }
0x28a: {  	v3 =	vld [tilespmem:s6+$0xFFFFFF80];
	p1 =	slt.u32 s1, $0x1E0;
	[tilespmem:v6+s0+$0x0] =	vst.idx.msk $0xffff, v8  }
0x28b: {  	s26 =	sadd.s32 $0x100, s26;
	v8 =	vld [tilespmem:s6+$0xFFFFFF90];
	[tilespmem:v5+s0+$0x0] =	vst.idx.msk $0xffff, v9  }
0x28c: {  	v5 =	vld [tilespmem:s26+$0x70];
	[tilespmem:v4+s0+$0x0] =	vst.idx.msk $0xffff, v10  }
0x28d: {  	v9 =	vld [tilespmem:s6+$0xFFFFFFA0];
	[tilespmem:v2+s0+$0x0] =	vst.idx.msk $0xffff, v11  }
0x28e: {  	v10 =	vld [tilespmem:s6+$0xFFFFFFB0]  }
0x28f: {  	v11 =	vld [tilespmem:s6+$0xFFFFFFC0];
	v2 =	vmov v3  }
0x290: {  	v3 =	vld [tilespmem:s6+$0xFFFFFFD0]  }
0x291: {  	s9 =	simm.s32 $0x0;
	v13 =	vld [tilespmem:s6+$0xFFFFFFE0];
	[tilespmem:v12+s0+$0x0] =	vst.idx.msk $0xffff, v5  }
0x292: {  	v12 =	vld [tilespmem:s6+$0xFFFFFFF0]  }
0x293: {  	v14 =	vld [tilespmem:s6+$0x0]  }
0x294: {  	v15 =	vld [tilespmem:s6+$0x10]  }
0x295: {  	v16 =	vld [tilespmem:s6+$0x20]  }
0x296: {  	v7 =	vld [tilespmem:s6+$0x30]  }
0x297: {  	v6 =	vld [tilespmem:s6+$0x40]  }
0x298: {  	v5 =	vld [tilespmem:s6+$0x50]  }
0x299: {  	v4 =	vld [tilespmem:s6+$0x60]  }
0x29a: {  	v17 =	vld [tilespmem:s26+$0xFFFFFF90]  }
0x29b: {  	v18 =	vld [tilespmem:s26+$0xFFFFFFA0]  }
0x29c: {  	v19 =	vld [tilespmem:s26+$0xFFFFFFB0]  }
0x29d: {  	v20 =	vld [tilespmem:s26+$0xFFFFFFC0]  }
0x29e: {  	v21 =	vld [tilespmem:s26+$0xFFFFFFD0]  }
0x29f: {  	[tilespmem:v8+s0+$0x0] =	vst.idx.msk $0xffff, v17;
	v8 =	vld [tilespmem:s26+$0xFFFFFFE0]  }
0x2a0: {  	[tilespmem:v9+s0+$0x0] =	vst.idx.msk $0xffff, v18;
	v9 =	vld [tilespmem:s26+$0xFFFFFFF0]  }
0x2a1: {  	[tilespmem:v10+s0+$0x0] =	vst.idx.msk $0xffff, v19;
	v10 =	vld [tilespmem:s26+$0x0]  }
0x2a2: {  	[tilespmem:v11+s0+$0x0] =	vst.idx.msk $0xffff, v20;
	v11 =	vld [tilespmem:s26+$0x10]  }
0x2a3: {  	[tilespmem:v3+s0+$0x0] =	vst.idx.msk $0xffff, v21;
	v17 =	vld [tilespmem:s26+$0x20]  }
.Ltmp7:
0x2a4: {  	[tilespmem:v13+s0+$0x0] =	vst.idx.msk $0xffff, v8;
	v3 =	vld [tilespmem:s26+$0x30];
	(pc) =	sbr.rel @p1 .LBB2_17-.Ltmp7, $4  }
0x2a5: {  	[tilespmem:v12+s0+$0x0] =	vst.idx.msk $0xffff, v9;
	v8 =	vld [tilespmem:s26+$0x40]  }
0x2a6: {  	[tilespmem:v14+s0+$0x0] =	vst.idx.msk $0xffff, v10;
	v9 =	vld [tilespmem:s26+$0x50]  }
0x2a7: {  	[tilespmem:v15+s0+$0x0] =	vst.idx.msk $0xffff, v11;
	v10 =	vld [tilespmem:s26+$0x60]  }
0x2a8: {  	s6 =	sadd.s32 $0x100, s6;
	v11 =	vld [tilespmem:s26+$0xFFFFFF80];
	[tilespmem:v16+s0+$0x0] =	vst.idx.msk $0xffff, v17  }
0x2a9: {  	_ =	sdelay $0x3  }
0x2aa: {  	[tilespmem:v7+s0+$0x0] =	vst.idx.msk $0xffff, v3  }
0x2ab: {  	[tilespmem:v6+s0+$0x0] =	vst.idx.msk $0xffff, v8  }
0x2ac: {  	[tilespmem:v5+s0+$0x0] =	vst.idx.msk $0xffff, v9  }
0x2ad: {  	[tilespmem:v4+s0+$0x0] =	vst.idx.msk $0xffff, v10  }
0x2ae: {  	[tilespmem:v2+s0+$0x0] =	vst.idx.msk $0xffff, v11  }
.LBB2_19:
0x2af: {  	s1 =	sshra.s32 s9, $0x2  }
0x2b0: {  	v2 =	vld [tilespmem:s1+$0xDF00];
	_ =	sdelay $0x2  }
0x2b1: {  	p1 =	sne.s32 s9, $0x2C0;
	v3 =	vld [tilespmem:s1+$0x7F00]  }
.Ltmp8:
0x2b2: {  	_ = 	snop;
	(pc) =	sbr.rel @p1 .LBB2_19-.Ltmp8, $2  }
0x2b3: {  	_ =	sdelay $0x2  }
0x2b4: {  	s9 =	sadd.s32 $0x40, s9;
	[tilespmem:v2+s0+$0x0] =	vst.idx.msk $0xffff, v3  }
0x2b5: {  	v2 =	vld [tilespmem:s24+$0x8180];
	_ =	sdelay $0x3  }
0x2b6: {  	v3 =	vld [tilespmem:$0xE000]  }
0x2b7: {  	v4 =	vmul.f32 $1.442695020e+00, v2;
	_ =	sdelay $0x1  }
0x2b8: {  	(erf) = vpow2.f32 v4;
	_ =	sdelay $0x1  }
0x2b9: {  	v42 =	vshrl.u32 v3, $0x7  }
0x2ba: {  	v3 =	vand.u32 $0xFFFFFF80, v3;
	v5 =	vand.u32 $0x1FFFF80, v42  }
0x2bb: {  	v4 =	vand.u32 $0x7F, v42;
	v3 =	vadd.s32 v3, v5  }
0x2bc: {  	v3 =	vor.u32 v4, v3;
	_ =	sdelay $0x3  }
0x2bd: {  	v43 =	vpop (erf)  }
0x2be: {  	[tilespmem:v3+s0+$0x0] =	vst.idx.msk $0xffff, v43  }
0x2bf: {  	v3 =	vld [tilespmem:s24+$0x8190];
	_ =	sdelay $0x3  }
0x2c0: {  	v4 =	vld [tilespmem:$0xE010]  }
0x2c1: {  	v44 =	vmul.f32 $1.442695020e+00, v3;
	_ =	sdelay $0x1  }
0x2c2: {  	(erf) = vpow2.f32 v44;
	_ =	sdelay $0x1  }
0x2c3: {  	v45 =	vshrl.u32 v4, $0x7  }
0x2c4: {  	v4 =	vand.u32 $0xFFFFFF80, v4;
	v6 =	vand.u32 $0x1FFFF80, v45  }
0x2c5: {  	v5 =	vand.u32 $0x7F, v45;
	v4 =	vadd.s32 v4, v6  }
0x2c6: {  	v4 =	vor.u32 v5, v4;
	_ =	sdelay $0x3  }
0x2c7: {  	v46 =	vpop (erf)  }
0x2c8: {  	[tilespmem:v4+s0+$0x0] =	vst.idx.msk $0xffff, v46  }
0x2c9: {  	v4 =	vld [tilespmem:s24+$0x81A0];
	_ =	sdelay $0x3  }
0x2ca: {  	v5 =	vld [tilespmem:$0xE020]  }
0x2cb: {  	v47 =	vmul.f32 $1.442695020e+00, v4;
	_ =	sdelay $0x1  }
0x2cc: {  	(erf) = vpow2.f32 v47;
	_ =	sdelay $0x1  }
0x2cd: {  	v48 =	vshrl.u32 v5, $0x7  }
0x2ce: {  	v5 =	vand.u32 $0xFFFFFF80, v5;
	v7 =	vand.u32 $0x1FFFF80, v48  }
0x2cf: {  	v6 =	vand.u32 $0x7F, v48;
	v5 =	vadd.s32 v5, v7  }
0x2d0: {  	v5 =	vor.u32 v6, v5;
	_ =	sdelay $0x3  }
0x2d1: {  	v49 =	vpop (erf)  }
0x2d2: {  	[tilespmem:v5+s0+$0x0] =	vst.idx.msk $0xffff, v49  }
0x2d3: {  	v5 =	vld [tilespmem:s24+$0x81B0];
	_ =	sdelay $0x3  }
0x2d4: {  	v6 =	vld [tilespmem:$0xE030]  }
0x2d5: {  	v50 =	vmul.f32 $1.442695020e+00, v5;
	_ =	sdelay $0x1  }
0x2d6: {  	(erf) = vpow2.f32 v50;
	_ =	sdelay $0x1  }
0x2d7: {  	v51 =	vshrl.u32 v6, $0x7  }
0x2d8: {  	v6 =	vand.u32 $0xFFFFFF80, v6;
	v8 =	vand.u32 $0x1FFFF80, v51  }
0x2d9: {  	v7 =	vand.u32 $0x7F, v51;
	v6 =	vadd.s32 v6, v8  }
0x2da: {  	v6 =	vor.u32 v7, v6;
	_ =	sdelay $0x3  }
0x2db: {  	v52 =	vpop (erf)  }
0x2dc: {  	[tilespmem:v6+s0+$0x0] =	vst.idx.msk $0xffff, v52  }
0x2dd: {  	v6 =	vld [tilespmem:s24+$0x81C0];
	_ =	sdelay $0x3  }
0x2de: {  	v7 =	vld [tilespmem:$0xE040]  }
0x2df: {  	v53 =	vmul.f32 $1.442695020e+00, v6;
	_ =	sdelay $0x1  }
0x2e0: {  	(erf) = vpow2.f32 v53;
	_ =	sdelay $0x1  }
0x2e1: {  	v54 =	vshrl.u32 v7, $0x7  }
0x2e2: {  	v7 =	vand.u32 $0xFFFFFF80, v7;
	v9 =	vand.u32 $0x1FFFF80, v54  }
0x2e3: {  	v8 =	vand.u32 $0x7F, v54;
	v7 =	vadd.s32 v7, v9  }
0x2e4: {  	v7 =	vor.u32 v8, v7;
	_ =	sdelay $0x3  }
0x2e5: {  	v55 =	vpop (erf)  }
0x2e6: {  	[tilespmem:v7+s0+$0x0] =	vst.idx.msk $0xffff, v55  }
0x2e7: {  	v7 =	vld [tilespmem:s24+$0x81D0];
	_ =	sdelay $0x3  }
0x2e8: {  	v8 =	vld [tilespmem:$0xE050]  }
0x2e9: {  	v56 =	vmul.f32 $1.442695020e+00, v7;
	_ =	sdelay $0x1  }
0x2ea: {  	(erf) = vpow2.f32 v56;
	_ =	sdelay $0x1  }
0x2eb: {  	v57 =	vshrl.u32 v8, $0x7  }
0x2ec: {  	v8 =	vand.u32 $0xFFFFFF80, v8;
	v10 =	vand.u32 $0x1FFFF80, v57  }
0x2ed: {  	v9 =	vand.u32 $0x7F, v57;
	v8 =	vadd.s32 v8, v10  }
0x2ee: {  	v8 =	vor.u32 v9, v8;
	_ =	sdelay $0x3  }
0x2ef: {  	v58 =	vpop (erf)  }
0x2f0: {  	[tilespmem:v8+s0+$0x0] =	vst.idx.msk $0xffff, v58  }
0x2f1: {  	v8 =	vld [tilespmem:s24+$0x81E0];
	_ =	sdelay $0x3  }
0x2f2: {  	v9 =	vld [tilespmem:$0xE060]  }
0x2f3: {  	v59 =	vmul.f32 $1.442695020e+00, v8;
	_ =	sdelay $0x1  }
0x2f4: {  	(erf) = vpow2.f32 v59;
	_ =	sdelay $0x1  }
0x2f5: {  	v60 =	vshrl.u32 v9, $0x7  }
0x2f6: {  	v9 =	vand.u32 $0xFFFFFF80, v9;
	v11 =	vand.u32 $0x1FFFF80, v60  }
0x2f7: {  	v10 =	vand.u32 $0x7F, v60;
	v9 =	vadd.s32 v9, v11  }
0x2f8: {  	v9 =	vor.u32 v10, v9;
	_ =	sdelay $0x3  }
0x2f9: {  	v61 =	vpop (erf)  }
0x2fa: {  	[tilespmem:v9+s0+$0x0] =	vst.idx.msk $0xffff, v61  }
0x2fb: {  	v9 =	vld [tilespmem:s24+$0x81F0];
	_ =	sdelay $0x3  }
0x2fc: {  	v10 =	vld [tilespmem:$0xE070]  }
0x2fd: {  	v62 =	vmul.f32 $1.442695020e+00, v9;
	_ =	sdelay $0x1  }
0x2fe: {  	(erf) = vpow2.f32 v62;
	_ =	sdelay $0x1  }
0x2ff: {  	v1 =	vadd.f32 v2, v1;
	v2 =	vshrl.u32 v10, $0x7  }
0x300: {  	v10 =	vand.u32 $0xFFFFFF80, v10;
	v63 =	vand.u32 $0x1FFFF80, v2  }
0x301: {  	v1 =	vadd.f32 v3, v1;
	v2 =	vand.u32 $0x7F, v2;
	v3 =	vadd.s32 v10, v63  }
0x302: {  	v2 =	vor.u32 v2, v3  }
0x303: {  	s1 =	sadd.s32 @!p0 $0x7, s21  }
0x304: {  	s6 =	sshll.u32 @!p0 s1, $0x4;
	v1 =	vadd.f32 v4, v1  }
0x305: {  	s9 =	simm.s32 @!p0 $0x400;
	s1 =	sshll.u32 @!p0 s1, $0xA;
	s6 =	sand.u32 @!p0 $0x70, s6  }
0x306: {  	s21 =	simm.s32 @!p0 $0x6000;
	s1 =	sand.u32 @!p0 $0xFFFE000, s1;
	s6 =	sadd.s32 @!p0 s5, s6;
	v1 =	vadd.f32 v5, v1;
	v3 =	vpop (erf)  }
0x307: {  	s20 =	sadd.s32 $0x1, s20;
	s1 =	sadd.s32 @!p0 s1, s6;
	s6 =	simm.s32 @!p0 $0x80;
	[tilespmem:v2+s0+$0x0] =	vst.idx.msk $0xffff, v3  }
0x308: {  	v1 =	vadd.f32 v6, v1;
	[tilespmem:s21], [sflag:$0x1] =	stream.strided.gather @!p0 [hbm4b:s1+s6], $0x2000, s9, s6, $0x38;
	[tilespmem:$0x1E100] =	vst v63  }
0x309: {  	p0 =	sne.s32 s20, $0x20  }
.Ltmp9:
0x30a: {  	v1 =	vadd.f32 v7, v1;
	(pc) =	sbr.rel @p0 .LBB2_4-.Ltmp9, $4  }
0x30b: {  	_ = 	snop  }
0x30c: {  	v1 =	vadd.f32 v8, v1  }
0x30d: {  	s26 =	sadd.s32 s25, s15  }
0x30e: {  	v1 =	vadd.f32 v9, v1;
	[hbm4b:s26+s4] =	stream.linear.scatter [tilespmem:s0], [sflag:$0x2], $0x4000, $0x38;
	[tilespmem:$0x1E100] =	vst v63  }
0x30f: {  	_ =	swait.ge [sflag:s2], $0x4000  }
0x310: {  	[sflag:s2] =	ssyncset.done $0x0  }
0x311: {  	[sflag:s2] =	ssyncadd.s32 $0xFFFFC000  }
0x312: {  	_ =	swait.ge [sflag:s2], $0x4000  }
0x313: {  	[sflag:s2] =	ssyncset.done $0x0  }
0x314: {  	[sflag:s2] =	ssyncadd.s32 $0xFFFFC000  }
0x315: {  	_ =	swait.ge [sflag:s2], $0x4000  }
0x316: {  	[sflag:s2] =	ssyncset.done $0x0  }
0x317: {  	[sflag:s2] =	ssyncadd.s32 $0xFFFFC000  }
0x318: {  	_ =	swait.ge [sflag:s2], $0x4000  }
0x319: {  	s18 =	sadd.s32 $0x1, s18;
	[sflag:s2] =	ssyncset.done $0x0  }
0x31a: {  	p0 =	sne.s32 s18, s17;
	[sflag:s2] =	ssyncadd.s32 $0xFFFFC000  }
.Ltmp10:
0x31b: {  	s1 =	simm.s32 $0x1E080;
	[tilespmem:$0x1E080] =	vst v1;
	(pc) =	sbr.rel @p0 .LBB2_1-.Ltmp10, $4  }
0x31c: {  	[hbm4b:s16+s4] =	stream.linear.scatter [tilespmem:s1], [sflag:$0x3], $0x80, $0x38;
	[tilespmem:$0x1E100] =	vst v63  }
0x31d: {  	_ =	swait.ge [sflag:s19], $0x80  }
0x31e: {  	[sflag:s19] =	ssyncset.done $0x0  }
0x31f: {  	[sflag:s19] =	ssyncadd.s32 $0xFFFFFF80  }
0x320: {  	_ =	sfence.sel $0x180000  }
0x321: {  	[bflag:$0x0] =	sbarrier.arrive $0xFFFF  }
0x322: {  	_ =	strace $0x90000047  }
0x323: {  	s0 =	stileid.u32;
	[bflag:$0x2] =	sbarrier.arrive $0xFFFF  }
0x324: {  	p0 =	sne.s32 s0, $0x0;
	s0 =	rddreg [dreg:$0x4]  }
0x325: {  	s0 =	sadd.s32 @!p0 $0x100000, s0  }
0x326: {  	[sflag:s0] =	ssyncadd.tile.s32 @!p0 $0x1;
	_ =	shalt  }
.Lfunc_end2:
_tile_overlayer_lowered:
.L_overlay_start_2:
0x327: {  	(tag) =	ssettag $0x2  }
0x328: {  	s0 =	rddreg [dreg:$0x0];
	s2 =	stileid.u32  }
0x329: {  	s1 =	rddreg [dreg:$0x1];
	p0 =	sne.s32 s2, $0x0  }
0x32a: {  	s3 =	rddreg [dreg:$0x2];
	[bflag:$0x3] =	sbarrier.arrive $0xFFFF;
	s2 =	simm.s32 @!p0 $0x1C03  }
0x32b: {  	[timem:s3], [sflag:s2] =	dma.local @!p0 [hbm:s0], s1  }
0x32c: {  	s0 =	simm.s32 @!p0 $0x3  }
0x32d: {  	_ =	swait.ge @!p0 [sflag:s0], s1  }
0x32e: {  	s1 =	ssub.s32 @!p0 $0x0, s1;
	[sflag:s0] =	ssyncset.done @!p0 $0x0  }
0x32f: {  	[sflag:s0] =	ssyncadd.s32 @!p0 s1  }
0x330: {  	[bflag:$0x3] =	sbarrier.arrive $0xFFFF  }
0x331: {  	_ =	shalt  }

</sc_bundles>
